<compile_context>
chip_gen: v7x
topology: tpu7x:2x2x1
jax: 0.10.2.dev20260603
libtpu: 0.0.44.dev20260713+nightly
codegen_flags: <defaults>
</compile_context>

<pallas_src>
import jax
import jax.numpy as jnp
from jax import lax
from jax.experimental import pallas as pl
from jax.experimental.pallas import tpu as pltpu
from jax.experimental.pallas import tpu_sc as plsc

SEQ = 64
EMBED = 64
NJ = 21
NJP = 32
NT = SEQ * NJP
TW = 128
NC = 2
NS = 16
NW = NC * NS
NBUF = 4


def _sc_body(p_hbm, c_hbm, pos_hbm, piece_hbm, color_hbm, out_hbm, tbl_hbm,
             pos_v, piece_v, color_v, joint_v, loc_v,
             p_v, c_v, idx_v, gbuf, wbuf, gsem, wsem):
    cid = lax.axis_index("c")
    sid = lax.axis_index("s")
    wid = sid * NC + cid
    brows_per_tile = 4096 // NW

    pltpu.sync_copy(pos_hbm, pos_v)
    pltpu.sync_copy(piece_hbm, piece_v)
    pltpu.sync_copy(color_hbm, color_v)

    def build_joint(j, _):
        pj = jnp.minimum(j // 3, 6)
        cj = j - (j // 3) * 3
        for k in range(EMBED // 16):
            joint_v[j, pl.ds(k * 16, 16)] = (
                piece_v[pj, pl.ds(k * 16, 16)] + color_v[cj, pl.ds(k * 16, 16)])
        return _
    lax.fori_loop(0, NJP, build_joint, 0)

    def build_row(i, _):
        r = sid * (NT // NS) + i
        s = r // NJP
        j = r - s * NJP
        for k in range(EMBED // 16):
            v = pos_v[s, pl.ds(k * 16, 16)] + joint_v[j, pl.ds(k * 16, 16)]
            loc_v[i, pl.ds(k * 16, 16)] = v
            loc_v[i, pl.ds(EMBED + k * 16, 16)] = v
        return _
    lax.fori_loop(0, NT // NS, build_row, 0)
    pltpu.sync_copy(loc_v, tbl_hbm.at[pl.ds(cid * NT + sid * (NT // NS), NT // NS)])

    base_b = wid * brows_per_tile
    pltpu.sync_copy(p_hbm.at[pl.ds(base_b, brows_per_tile)], p_v)
    pltpu.sync_copy(c_hbm.at[pl.ds(base_b, brows_per_tile)], c_v)
    tbl_base = cid * NT

    def build_idx(i, _):
        r = i // 4
        k = i - r * 4
        pv = p_v[r, pl.ds(k * 16, 16)]
        cv = c_v[r, pl.ds(k * 16, 16)]
        sv = lax.broadcasted_iota(jnp.int32, (16,), 0) + k * 16
        idx_v[r, pl.ds(k * 16, 16)] = sv * NJP + pv * 3 + cv + tbl_base
        return _
    lax.fori_loop(0, brows_per_tile * 4, build_idx, 0)

    plsc.subcore_barrier()

    def gather_cp(r, b):
        return pltpu.make_async_copy(
            tbl_hbm.at[idx_v.at[r]], gbuf.at[b], gsem.at[b])

    def write_cp(r, w):
        return pltpu.make_async_copy(
            wbuf.at[w], out_hbm.at[base_b + r], wsem.at[w])

    for b in range(NBUF - 1):
        gather_cp(b, b).start()

    def chunk_step(r, _):
        b = lax.rem(r, NBUF)
        w = r & 1
        gather_cp(r, b).wait()

        @pl.when(r + NBUF - 1 < brows_per_tile)
        def _start_ahead():
            gather_cp(r + NBUF - 1, lax.rem(r + NBUF - 1, NBUF)).start()

        @pl.when(r >= 2)
        def _drain_write():
            write_cp(r - 2, w).wait()

        def repack(i, _):
            for k in range(EMBED // 16):
                wbuf[w, i, pl.ds(k * 16, 16)] = gbuf[b, i, pl.ds(k * 16, 16)]
            return _
        lax.fori_loop(0, SEQ, repack, 0)

        write_cp(r, w).start()
        return _
    lax.fori_loop(0, brows_per_tile, chunk_step, 0)
    write_cp(brows_per_tile - 2, 0).wait()
    write_cp(brows_per_tile - 1, 1).wait()


def kernel(pieces_ids, color_ids, position_emb, piece_emb, color_emb):
    B = pieces_ids.shape[0]
    p32 = pieces_ids.astype(jnp.int32)
    c32 = color_ids.astype(jnp.int32)

    mesh = plsc.VectorSubcoreMesh(core_axis_name="c", subcore_axis_name="s")
    run = pl.kernel(
        _sc_body,
        mesh=mesh,
        out_type=(
            jax.ShapeDtypeStruct((B, SEQ, EMBED), jnp.float32),
            jax.ShapeDtypeStruct((NC * NT, TW), jnp.float32),
        ),
        scratch_types=[
            pltpu.VMEM((SEQ, EMBED), jnp.float32),
            pltpu.VMEM((7, EMBED), jnp.float32),
            pltpu.VMEM((3, EMBED), jnp.float32),
            pltpu.VMEM((NJP, EMBED), jnp.float32),
            pltpu.VMEM((NT // NS, TW), jnp.float32),
            pltpu.VMEM((B // NW, SEQ), jnp.int32),
            pltpu.VMEM((B // NW, SEQ), jnp.int32),
            pltpu.VMEM((B // NW, SEQ), jnp.int32),
            pltpu.VMEM((NBUF, SEQ, TW), jnp.float32),
            pltpu.VMEM((2, SEQ, EMBED), jnp.float32),
            pltpu.SemaphoreType.DMA((NBUF,)),
            pltpu.SemaphoreType.DMA((2,)),
        ],
    )
    out, _tbl = run(p32, c32, position_emb, piece_emb, color_emb)
    return out

# --- scband reference (transcript-rebuilt; emitter-appended) ---
"""Pipeline reference for scband-chess-former-encoder-embedding-5394478924328 (READ-ONLY COPY).

The authoritative reference and input builder live on the scoring server;
editing this copy changes nothing except your own understanding.
"""

import jax, jax.numpy as jnp
import numpy as np

EMBED_DIM = 64
BATCH = 4096

def setup_inputs(seed: int = 0) -> dict:
    key = jax.random.key(seed)
    k1, k2, k3, k4, k5 = jax.random.split(key, 5)
    pieces_ids = jax.random.randint(k1, (BATCH, 64), 0, 7, dtype=jnp.int64 if jax.config.jax_enable_x64 else jnp.int32)
    color_ids = jax.random.randint(k2, (BATCH, 64), 0, 3, dtype=jnp.int64 if jax.config.jax_enable_x64 else jnp.int32)
    position_emb = jax.random.normal(k3, (64, EMBED_DIM), dtype=jnp.float32)
    piece_emb = jax.random.normal(k4, (7, EMBED_DIM), dtype=jnp.float32)
    color_emb = jax.random.normal(k5, (3, EMBED_DIM), dtype=jnp.float32)
    return {"pieces_ids": pieces_ids, "color_ids": color_ids,
            "position_emb": position_emb, "piece_emb": piece_emb, "color_emb": color_emb}

def reference(pieces_ids, color_ids, position_emb, piece_emb, color_emb):
    indexes = jnp.arange(0, 64)
    pos = jnp.take(position_emb, indexes, axis=0)          # [64, D]
    pc = jnp.take(piece_emb, pieces_ids, axis=0)           # [B, 64, D]
    cl = jnp.take(color_emb, color_ids, axis=0)            # [B, 64, D]
    return pos + pc + cl

if __name__ == "__main__":
    import jax
    _d = setup_inputs()
    print(jax.jit(kernel)(*tuple(_d.values())))

</pallas_src>

<mosaic_0001>
#map = affine_map<(d0, d1) -> (0, 0)>
#map1 = affine_map<(d0, d1) -> (0, 0, 0)>
module attributes {stable_mosaic.version = 14 : i64} {
  func.func @_sc_body(%arg0: i32, %arg1: i32, %arg2: memref<4096x64xi32, #tpu.memory_space<hbm>>, %arg3: memref<4096x64xi32, #tpu.memory_space<hbm>>, %arg4: memref<64x64xf32, #tpu.memory_space<hbm>>, %arg5: memref<7x64xf32, #tpu.memory_space<hbm>>, %arg6: memref<3x64xf32, #tpu.memory_space<hbm>>, %arg7: memref<4096x64x64xf32, #tpu.memory_space<hbm>>, %arg8: memref<4096x128xf32, #tpu.memory_space<hbm>>, %arg9: memref<64x64xf32, #tpu.memory_space<vmem>>, %arg10: memref<7x64xf32, #tpu.memory_space<vmem>>, %arg11: memref<3x64xf32, #tpu.memory_space<vmem>>, %arg12: memref<32x64xf32, #tpu.memory_space<vmem>>, %arg13: memref<128x128xf32, #tpu.memory_space<vmem>>, %arg14: memref<128x64xi32, #tpu.memory_space<vmem>>, %arg15: memref<128x64xi32, #tpu.memory_space<vmem>>, %arg16: memref<128x64xi32, #tpu.memory_space<vmem>>, %arg17: memref<4x64x128xf32, #tpu.memory_space<vmem>>, %arg18: memref<2x64x64xf32, #tpu.memory_space<vmem>>, %arg19: memref<4x!tpu.dma_semaphore, #tpu.memory_space<semaphore_mem>>, %arg20: memref<2x!tpu.dma_semaphore, #tpu.memory_space<semaphore_mem>>) attributes {dimension_semantics = [#tpu.dimension_semantics<core_parallel>, #tpu.dimension_semantics<subcore_parallel>], iteration_bounds = array<i64: 2, 16>, scalar_prefetch = 0 : i64, scratch_operands = 12 : i64, tpu.core_type = #tpu.core_type<sc_vector_subcore>, window_params = [{transform_indices = #map}, {transform_indices = #map}, {transform_indices = #map}, {transform_indices = #map}, {transform_indices = #map}, {transform_indices = #map1}, {transform_indices = #map}]} {
    %mul3A = arith.constant 2 : i32
    %mul3A_0 = arith.muli %arg1, %mul3A : i32
    %add3A = arith.addi %mul3A_0, %arg0 : i32
    "tpu.region"() ({
      %run_scoped3A = tpu.sem_alloc : memref<!tpu.dma_semaphore, #tpu.memory_space<semaphore_mem>>
      tpu.enqueue_dma source(%arg4 : memref<64x64xf32, #tpu.memory_space<hbm>>) target(%arg9 : memref<64x64xf32, #tpu.memory_space<vmem>>) target_semaphore(%run_scoped3A : memref<!tpu.dma_semaphore, #tpu.memory_space<semaphore_mem>>)
      tpu.wait_dma2 semaphore(%run_scoped3A : memref<!tpu.dma_semaphore, #tpu.memory_space<semaphore_mem>>) src(%arg4 : memref<64x64xf32, #tpu.memory_space<hbm>>) dst(%arg9 : memref<64x64xf32, #tpu.memory_space<vmem>>)
      tpu.yield
    }) : () -> ()
    "tpu.region"() ({
      %run_scoped3A = tpu.sem_alloc : memref<!tpu.dma_semaphore, #tpu.memory_space<semaphore_mem>>
      tpu.enqueue_dma source(%arg5 : memref<7x64xf32, #tpu.memory_space<hbm>>) target(%arg10 : memref<7x64xf32, #tpu.memory_space<vmem>>) target_semaphore(%run_scoped3A : memref<!tpu.dma_semaphore, #tpu.memory_space<semaphore_mem>>)
      tpu.wait_dma2 semaphore(%run_scoped3A : memref<!tpu.dma_semaphore, #tpu.memory_space<semaphore_mem>>) src(%arg5 : memref<7x64xf32, #tpu.memory_space<hbm>>) dst(%arg10 : memref<7x64xf32, #tpu.memory_space<vmem>>)
      tpu.yield
    }) : () -> ()
    "tpu.region"() ({
      %run_scoped3A = tpu.sem_alloc : memref<!tpu.dma_semaphore, #tpu.memory_space<semaphore_mem>>
      tpu.enqueue_dma source(%arg6 : memref<3x64xf32, #tpu.memory_space<hbm>>) target(%arg11 : memref<3x64xf32, #tpu.memory_space<vmem>>) target_semaphore(%run_scoped3A : memref<!tpu.dma_semaphore, #tpu.memory_space<semaphore_mem>>)
      tpu.wait_dma2 semaphore(%run_scoped3A : memref<!tpu.dma_semaphore, #tpu.memory_space<semaphore_mem>>) src(%arg6 : memref<3x64xf32, #tpu.memory_space<hbm>>) dst(%arg11 : memref<3x64xf32, #tpu.memory_space<vmem>>)
      tpu.yield
    }) : () -> ()
    %scan3A = arith.constant 0 : i32
    %scan3A_1 = arith.constant 0 : i32
    %scan3A_2 = arith.constant 32 : i32
    %scan3A_3 = arith.addi %scan3A_1, %scan3A_2 : i32
    %scan3A_4 = arith.constant 1 : i32
    scf.for %scan3A_120 = %scan3A_1 to %scan3A_3 step %scan3A_4  : i32 {
      %jit3A = arith.constant 3 : i32
      %div3A = arith.divsi %scan3A_120, %jit3A : i32
      %sign3A = arith.constant 0 : i32
      %sign3A_121 = arith.cmpi sgt, %scan3A_120, %sign3A : i32
      %sign3A_122 = arith.extui %sign3A_121 : i1 to i32
      %sign3A_123 = arith.constant 0 : i32
      %sign3A_124 = arith.cmpi slt, %scan3A_120, %sign3A_123 : i32
      %sign3A_125 = arith.extui %sign3A_124 : i1 to i32
      %sign3A_126 = arith.subi %sign3A_122, %sign3A_125 : i32
      %sign3A_127 = arith.constant 0 : i32
      %sign3A_128 = arith.cmpi sgt, %jit3A, %sign3A_127 : i32
      %sign3A_129 = arith.extui %sign3A_128 : i1 to i32
      %sign3A_130 = arith.constant 0 : i32
      %sign3A_131 = arith.cmpi slt, %jit3A, %sign3A_130 : i32
      %sign3A_132 = arith.extui %sign3A_131 : i1 to i32
      %sign3A_133 = arith.subi %sign3A_129, %sign3A_132 : i32
      %ne3A = arith.cmpi ne, %sign3A_126, %sign3A_133 : i32
      %rem3A = arith.remsi %scan3A_120, %jit3A : i32
      %ne3A_134 = arith.constant 0 : i32
      %ne3A_135 = arith.cmpi ne, %rem3A, %ne3A_134 : i32
      %and3A = arith.andi %ne3A, %ne3A_135 : i1
      %sub3A = arith.constant 1 : i32
      %sub3A_136 = arith.subi %div3A, %sub3A : i32
      %select_n3A = arith.select %and3A, %sub3A_136, %div3A : i32
      %min3A = arith.constant 6 : i32
      %min3A_137 = arith.minsi %select_n3A, %min3A : i32
      %jit3A_138 = arith.constant 3 : i32
      %div3A_139 = arith.divsi %scan3A_120, %jit3A_138 : i32
      %sign3A_140 = arith.constant 0 : i32
      %sign3A_141 = arith.cmpi sgt, %scan3A_120, %sign3A_140 : i32
      %sign3A_142 = arith.extui %sign3A_141 : i1 to i32
      %sign3A_143 = arith.constant 0 : i32
      %sign3A_144 = arith.cmpi slt, %scan3A_120, %sign3A_143 : i32
      %sign3A_145 = arith.extui %sign3A_144 : i1 to i32
      %sign3A_146 = arith.subi %sign3A_142, %sign3A_145 : i32
      %sign3A_147 = arith.constant 0 : i32
      %sign3A_148 = arith.cmpi sgt, %jit3A_138, %sign3A_147 : i32
      %sign3A_149 = arith.extui %sign3A_148 : i1 to i32
      %sign3A_150 = arith.constant 0 : i32
      %sign3A_151 = arith.cmpi slt, %jit3A_138, %sign3A_150 : i32
      %sign3A_152 = arith.extui %sign3A_151 : i1 to i32
      %sign3A_153 = arith.subi %sign3A_149, %sign3A_152 : i32
      %ne3A_154 = arith.cmpi ne, %sign3A_146, %sign3A_153 : i32
      %rem3A_155 = arith.remsi %scan3A_120, %jit3A_138 : i32
      %ne3A_156 = arith.constant 0 : i32
      %ne3A_157 = arith.cmpi ne, %rem3A_155, %ne3A_156 : i32
      %and3A_158 = arith.andi %ne3A_154, %ne3A_157 : i1
      %sub3A_159 = arith.constant 1 : i32
      %sub3A_160 = arith.subi %div3A_139, %sub3A_159 : i32
      %select_n3A_161 = arith.select %and3A_158, %sub3A_160, %div3A_139 : i32
      %mul3A_162 = arith.constant 3 : i32
      %mul3A_163 = arith.muli %select_n3A_161, %mul3A_162 : i32
      %sub3A_164 = arith.subi %scan3A_120, %mul3A_163 : i32
      %get3A = arith.index_cast %min3A_137 : i32 to index
      %get3A_165 = arith.constant 0 : index
      %get3A_166 = tpu.vector_load %arg10[%get3A, %get3A_165] {strides = array<i32>} : memref<7x64xf32, #tpu.memory_space<vmem>>, vector<1x16xf32>,
      %get3A_167 = vector.shape_cast %get3A_166 : vector<1x16xf32> to vector<16xf32>
      %get3A_168 = arith.index_cast %sub3A_164 : i32 to index
      %get3A_169 = arith.constant 0 : index
      %get3A_170 = tpu.vector_load %arg11[%get3A_168, %get3A_169] {strides = array<i32>} : memref<3x64xf32, #tpu.memory_space<vmem>>, vector<1x16xf32>,
      %get3A_171 = vector.shape_cast %get3A_170 : vector<1x16xf32> to vector<16xf32>
      %add3A_172 = arith.addf %get3A_167, %get3A_171 : vector<16xf32>
      %swap3A = arith.index_cast %scan3A_120 : i32 to index
      %swap3A_173 = arith.constant 0 : index
      %swap3A_174 = tpu.vector_load %arg12[%swap3A, %swap3A_173] {strides = array<i32>} : memref<32x64xf32, #tpu.memory_space<vmem>>, vector<1x16xf32>,
      %swap3A_175 = vector.shape_cast %swap3A_174 : vector<1x16xf32> to vector<16xf32>
      %swap3A_176 = vector.shape_cast %add3A_172 : vector<16xf32> to vector<1x16xf32>
      tpu.vector_store %arg12[%swap3A, %swap3A_173], %swap3A_176 {strides = array<i32>} : memref<32x64xf32, #tpu.memory_space<vmem>>, vector<1x16xf32>,
      %get3A_177 = arith.index_cast %min3A_137 : i32 to index
      %get3A_178 = arith.constant 16 : index
      %get3A_179 = tpu.vector_load %arg10[%get3A_177, %get3A_178] {strides = array<i32>} : memref<7x64xf32, #tpu.memory_space<vmem>>, vector<1x16xf32>,
      %get3A_180 = vector.shape_cast %get3A_179 : vector<1x16xf32> to vector<16xf32>
      %get3A_181 = arith.index_cast %sub3A_164 : i32 to index
      %get3A_182 = arith.constant 16 : index
      %get3A_183 = tpu.vector_load %arg11[%get3A_181, %get3A_182] {strides = array<i32>} : memref<3x64xf32, #tpu.memory_space<vmem>>, vector<1x16xf32>,
      %get3A_184 = vector.shape_cast %get3A_183 : vector<1x16xf32> to vector<16xf32>
      %add3A_185 = arith.addf %get3A_180, %get3A_184 : vector<16xf32>
      %swap3A_186 = arith.index_cast %scan3A_120 : i32 to index
      %swap3A_187 = arith.constant 16 : index
      %swap3A_188 = tpu.vector_load %arg12[%swap3A_186, %swap3A_187] {strides = array<i32>} : memref<32x64xf32, #tpu.memory_space<vmem>>, vector<1x16xf32>,
      %swap3A_189 = vector.shape_cast %swap3A_188 : vector<1x16xf32> to vector<16xf32>
      %swap3A_190 = vector.shape_cast %add3A_185 : vector<16xf32> to vector<1x16xf32>
      tpu.vector_store %arg12[%swap3A_186, %swap3A_187], %swap3A_190 {strides = array<i32>} : memref<32x64xf32, #tpu.memory_space<vmem>>, vector<1x16xf32>,
      %get3A_191 = arith.index_cast %min3A_137 : i32 to index
      %get3A_192 = arith.constant 32 : index
      %get3A_193 = tpu.vector_load %arg10[%get3A_191, %get3A_192] {strides = array<i32>} : memref<7x64xf32, #tpu.memory_space<vmem>>, vector<1x16xf32>,
      %get3A_194 = vector.shape_cast %get3A_193 : vector<1x16xf32> to vector<16xf32>
      %get3A_195 = arith.index_cast %sub3A_164 : i32 to index
      %get3A_196 = arith.constant 32 : index
      %get3A_197 = tpu.vector_load %arg11[%get3A_195, %get3A_196] {strides = array<i32>} : memref<3x64xf32, #tpu.memory_space<vmem>>, vector<1x16xf32>,
      %get3A_198 = vector.shape_cast %get3A_197 : vector<1x16xf32> to vector<16xf32>
      %add3A_199 = arith.addf %get3A_194, %get3A_198 : vector<16xf32>
      %swap3A_200 = arith.index_cast %scan3A_120 : i32 to index
      %swap3A_201 = arith.constant 32 : index
      %swap3A_202 = tpu.vector_load %arg12[%swap3A_200, %swap3A_201] {strides = array<i32>} : memref<32x64xf32, #tpu.memory_space<vmem>>, vector<1x16xf32>,
      %swap3A_203 = vector.shape_cast %swap3A_202 : vector<1x16xf32> to vector<16xf32>
      %swap3A_204 = vector.shape_cast %add3A_199 : vector<16xf32> to vector<1x16xf32>
      tpu.vector_store %arg12[%swap3A_200, %swap3A_201], %swap3A_204 {strides = array<i32>} : memref<32x64xf32, #tpu.memory_space<vmem>>, vector<1x16xf32>,
      %get3A_205 = arith.index_cast %min3A_137 : i32 to index
      %get3A_206 = arith.constant 48 : index
      %get3A_207 = tpu.vector_load %arg10[%get3A_205, %get3A_206] {strides = array<i32>} : memref<7x64xf32, #tpu.memory_space<vmem>>, vector<1x16xf32>,
      %get3A_208 = vector.shape_cast %get3A_207 : vector<1x16xf32> to vector<16xf32>
      %get3A_209 = arith.index_cast %sub3A_164 : i32 to index
      %get3A_210 = arith.constant 48 : index
      %get3A_211 = tpu.vector_load %arg11[%get3A_209, %get3A_210] {strides = array<i32>} : memref<3x64xf32, #tpu.memory_space<vmem>>, vector<1x16xf32>,
      %get3A_212 = vector.shape_cast %get3A_211 : vector<1x16xf32> to vector<16xf32>
      %add3A_213 = arith.addf %get3A_208, %get3A_212 : vector<16xf32>
      %swap3A_214 = arith.index_cast %scan3A_120 : i32 to index
      %swap3A_215 = arith.constant 48 : index
      %swap3A_216 = tpu.vector_load %arg12[%swap3A_214, %swap3A_215] {strides = array<i32>} : memref<32x64xf32, #tpu.memory_space<vmem>>, vector<1x16xf32>,
      %swap3A_217 = vector.shape_cast %swap3A_216 : vector<1x16xf32> to vector<16xf32>
      %swap3A_218 = vector.shape_cast %add3A_213 : vector<16xf32> to vector<1x16xf32>
      tpu.vector_store %arg12[%swap3A_214, %swap3A_215], %swap3A_218 {strides = array<i32>} : memref<32x64xf32, #tpu.memory_space<vmem>>, vector<1x16xf32>,
    }
    %scan3A_5 = arith.constant 32 : i32
    %scan3A_6 = arith.constant 0 : i32
    %scan3A_7 = arith.constant 0 : i32
    %scan3A_8 = arith.constant 128 : i32
    %scan3A_9 = arith.addi %scan3A_7, %scan3A_8 : i32
    %scan3A_10 = arith.constant 1 : i32
    scf.for %scan3A_120 = %scan3A_7 to %scan3A_9 step %scan3A_10  : i32 {
      %mul3A_121 = arith.constant 128 : i32
      %mul3A_122 = arith.muli %arg1, %mul3A_121 : i32
      %add3A_123 = arith.addi %mul3A_122, %scan3A_120 : i32
      %jit3A = arith.constant 32 : i32
      %div3A = arith.divsi %add3A_123, %jit3A : i32
      %sign3A = arith.constant 0 : i32
      %sign3A_124 = arith.cmpi sgt, %add3A_123, %sign3A : i32
      %sign3A_125 = arith.extui %sign3A_124 : i1 to i32
      %sign3A_126 = arith.constant 0 : i32
      %sign3A_127 = arith.cmpi slt, %add3A_123, %sign3A_126 : i32
      %sign3A_128 = arith.extui %sign3A_127 : i1 to i32
      %sign3A_129 = arith.subi %sign3A_125, %sign3A_128 : i32
      %sign3A_130 = arith.constant 0 : i32
      %sign3A_131 = arith.cmpi sgt, %jit3A, %sign3A_130 : i32
      %sign3A_132 = arith.extui %sign3A_131 : i1 to i32
      %sign3A_133 = arith.constant 0 : i32
      %sign3A_134 = arith.cmpi slt, %jit3A, %sign3A_133 : i32
      %sign3A_135 = arith.extui %sign3A_134 : i1 to i32
      %sign3A_136 = arith.subi %sign3A_132, %sign3A_135 : i32
      %ne3A = arith.cmpi ne, %sign3A_129, %sign3A_136 : i32
      %rem3A = arith.remsi %add3A_123, %jit3A : i32
      %ne3A_137 = arith.constant 0 : i32
      %ne3A_138 = arith.cmpi ne, %rem3A, %ne3A_137 : i32
      %and3A = arith.andi %ne3A, %ne3A_138 : i1
      %sub3A = arith.constant 1 : i32
      %sub3A_139 = arith.subi %div3A, %sub3A : i32
      %select_n3A = arith.select %and3A, %sub3A_139, %div3A : i32
      %mul3A_140 = arith.constant 32 : i32
      %mul3A_141 = arith.muli %select_n3A, %mul3A_140 : i32
      %sub3A_142 = arith.subi %add3A_123, %mul3A_141 : i32
      %get3A = arith.index_cast %select_n3A : i32 to index
      %get3A_143 = arith.constant 0 : index
      %get3A_144 = tpu.vector_load %arg9[%get3A, %get3A_143] {strides = array<i32>} : memref<64x64xf32, #tpu.memory_space<vmem>>, vector<1x16xf32>,
      %get3A_145 = vector.shape_cast %get3A_144 : vector<1x16xf32> to vector<16xf32>
      %get3A_146 = arith.index_cast %sub3A_142 : i32 to index
      %get3A_147 = arith.constant 0 : index
      %get3A_148 = tpu.vector_load %arg12[%get3A_146, %get3A_147] {strides = array<i32>} : memref<32x64xf32, #tpu.memory_space<vmem>>, vector<1x16xf32>,
      %get3A_149 = vector.shape_cast %get3A_148 : vector<1x16xf32> to vector<16xf32>
      %add3A_150 = arith.addf %get3A_145, %get3A_149 : vector<16xf32>
      %swap3A = arith.index_cast %scan3A_120 : i32 to index
      %swap3A_151 = arith.constant 0 : index
      %swap3A_152 = tpu.vector_load %arg13[%swap3A, %swap3A_151] {strides = array<i32>} : memref<128x128xf32, #tpu.memory_space<vmem>>, vector<1x16xf32>,
      %swap3A_153 = vector.shape_cast %swap3A_152 : vector<1x16xf32> to vector<16xf32>
      %swap3A_154 = vector.shape_cast %add3A_150 : vector<16xf32> to vector<1x16xf32>
      tpu.vector_store %arg13[%swap3A, %swap3A_151], %swap3A_154 {strides = array<i32>} : memref<128x128xf32, #tpu.memory_space<vmem>>, vector<1x16xf32>,
      %swap3A_155 = arith.index_cast %scan3A_120 : i32 to index
      %swap3A_156 = arith.constant 64 : index
      %swap3A_157 = tpu.vector_load %arg13[%swap3A_155, %swap3A_156] {strides = array<i32>} : memref<128x128xf32, #tpu.memory_space<vmem>>, vector<1x16xf32>,
      %swap3A_158 = vector.shape_cast %swap3A_157 : vector<1x16xf32> to vector<16xf32>
      %swap3A_159 = vector.shape_cast %add3A_150 : vector<16xf32> to vector<1x16xf32>
      tpu.vector_store %arg13[%swap3A_155, %swap3A_156], %swap3A_159 {strides = array<i32>} : memref<128x128xf32, #tpu.memory_space<vmem>>, vector<1x16xf32>,
      %get3A_160 = arith.index_cast %select_n3A : i32 to index
      %get3A_161 = arith.constant 16 : index
      %get3A_162 = tpu.vector_load %arg9[%get3A_160, %get3A_161] {strides = array<i32>} : memref<64x64xf32, #tpu.memory_space<vmem>>, vector<1x16xf32>,
      %get3A_163 = vector.shape_cast %get3A_162 : vector<1x16xf32> to vector<16xf32>
      %get3A_164 = arith.index_cast %sub3A_142 : i32 to index
      %get3A_165 = arith.constant 16 : index
      %get3A_166 = tpu.vector_load %arg12[%get3A_164, %get3A_165] {strides = array<i32>} : memref<32x64xf32, #tpu.memory_space<vmem>>, vector<1x16xf32>,
      %get3A_167 = vector.shape_cast %get3A_166 : vector<1x16xf32> to vector<16xf32>
      %add3A_168 = arith.addf %get3A_163, %get3A_167 : vector<16xf32>
      %swap3A_169 = arith.index_cast %scan3A_120 : i32 to index
      %swap3A_170 = arith.constant 16 : index
      %swap3A_171 = tpu.vector_load %arg13[%swap3A_169, %swap3A_170] {strides = array<i32>} : memref<128x128xf32, #tpu.memory_space<vmem>>, vector<1x16xf32>,
      %swap3A_172 = vector.shape_cast %swap3A_171 : vector<1x16xf32> to vector<16xf32>
      %swap3A_173 = vector.shape_cast %add3A_168 : vector<16xf32> to vector<1x16xf32>
      tpu.vector_store %arg13[%swap3A_169, %swap3A_170], %swap3A_173 {strides = array<i32>} : memref<128x128xf32, #tpu.memory_space<vmem>>, vector<1x16xf32>,
      %swap3A_174 = arith.index_cast %scan3A_120 : i32 to index
      %swap3A_175 = arith.constant 80 : index
      %swap3A_176 = tpu.vector_load %arg13[%swap3A_174, %swap3A_175] {strides = array<i32>} : memref<128x128xf32, #tpu.memory_space<vmem>>, vector<1x16xf32>,
      %swap3A_177 = vector.shape_cast %swap3A_176 : vector<1x16xf32> to vector<16xf32>
      %swap3A_178 = vector.shape_cast %add3A_168 : vector<16xf32> to vector<1x16xf32>
      tpu.vector_store %arg13[%swap3A_174, %swap3A_175], %swap3A_178 {strides = array<i32>} : memref<128x128xf32, #tpu.memory_space<vmem>>, vector<1x16xf32>,
      %get3A_179 = arith.index_cast %select_n3A : i32 to index
      %get3A_180 = arith.constant 32 : index
      %get3A_181 = tpu.vector_load %arg9[%get3A_179, %get3A_180] {strides = array<i32>} : memref<64x64xf32, #tpu.memory_space<vmem>>, vector<1x16xf32>,
      %get3A_182 = vector.shape_cast %get3A_181 : vector<1x16xf32> to vector<16xf32>
      %get3A_183 = arith.index_cast %sub3A_142 : i32 to index
      %get3A_184 = arith.constant 32 : index
      %get3A_185 = tpu.vector_load %arg12[%get3A_183, %get3A_184] {strides = array<i32>} : memref<32x64xf32, #tpu.memory_space<vmem>>, vector<1x16xf32>,
      %get3A_186 = vector.shape_cast %get3A_185 : vector<1x16xf32> to vector<16xf32>
      %add3A_187 = arith.addf %get3A_182, %get3A_186 : vector<16xf32>
      %swap3A_188 = arith.index_cast %scan3A_120 : i32 to index
      %swap3A_189 = arith.constant 32 : index
      %swap3A_190 = tpu.vector_load %arg13[%swap3A_188, %swap3A_189] {strides = array<i32>} : memref<128x128xf32, #tpu.memory_space<vmem>>, vector<1x16xf32>,
      %swap3A_191 = vector.shape_cast %swap3A_190 : vector<1x16xf32> to vector<16xf32>
      %swap3A_192 = vector.shape_cast %add3A_187 : vector<16xf32> to vector<1x16xf32>
      tpu.vector_store %arg13[%swap3A_188, %swap3A_189], %swap3A_192 {strides = array<i32>} : memref<128x128xf32, #tpu.memory_space<vmem>>, vector<1x16xf32>,
      %swap3A_193 = arith.index_cast %scan3A_120 : i32 to index
      %swap3A_194 = arith.constant 96 : index
      %swap3A_195 = tpu.vector_load %arg13[%swap3A_193, %swap3A_194] {strides = array<i32>} : memref<128x128xf32, #tpu.memory_space<vmem>>, vector<1x16xf32>,
      %swap3A_196 = vector.shape_cast %swap3A_195 : vector<1x16xf32> to vector<16xf32>
      %swap3A_197 = vector.shape_cast %add3A_187 : vector<16xf32> to vector<1x16xf32>
      tpu.vector_store %arg13[%swap3A_193, %swap3A_194], %swap3A_197 {strides = array<i32>} : memref<128x128xf32, #tpu.memory_space<vmem>>, vector<1x16xf32>,
      %get3A_198 = arith.index_cast %select_n3A : i32 to index
      %get3A_199 = arith.constant 48 : index
      %get3A_200 = tpu.vector_load %arg9[%get3A_198, %get3A_199] {strides = array<i32>} : memref<64x64xf32, #tpu.memory_space<vmem>>, vector<1x16xf32>,
      %get3A_201 = vector.shape_cast %get3A_200 : vector<1x16xf32> to vector<16xf32>
      %get3A_202 = arith.index_cast %sub3A_142 : i32 to index
      %get3A_203 = arith.constant 48 : index
      %get3A_204 = tpu.vector_load %arg12[%get3A_202, %get3A_203] {strides = array<i32>} : memref<32x64xf32, #tpu.memory_space<vmem>>, vector<1x16xf32>,
      %get3A_205 = vector.shape_cast %get3A_204 : vector<1x16xf32> to vector<16xf32>
      %add3A_206 = arith.addf %get3A_201, %get3A_205 : vector<16xf32>
      %swap3A_207 = arith.index_cast %scan3A_120 : i32 to index
      %swap3A_208 = arith.constant 48 : index
      %swap3A_209 = tpu.vector_load %arg13[%swap3A_207, %swap3A_208] {strides = array<i32>} : memref<128x128xf32, #tpu.memory_space<vmem>>, vector<1x16xf32>,
      %swap3A_210 = vector.shape_cast %swap3A_209 : vector<1x16xf32> to vector<16xf32>
      %swap3A_211 = vector.shape_cast %add3A_206 : vector<16xf32> to vector<1x16xf32>
      tpu.vector_store %arg13[%swap3A_207, %swap3A_208], %swap3A_211 {strides = array<i32>} : memref<128x128xf32, #tpu.memory_space<vmem>>, vector<1x16xf32>,
      %swap3A_212 = arith.index_cast %scan3A_120 : i32 to index
      %swap3A_213 = arith.constant 112 : index
      %swap3A_214 = tpu.vector_load %arg13[%swap3A_212, %swap3A_213] {strides = array<i32>} : memref<128x128xf32, #tpu.memory_space<vmem>>, vector<1x16xf32>,
      %swap3A_215 = vector.shape_cast %swap3A_214 : vector<1x16xf32> to vector<16xf32>
      %swap3A_216 = vector.shape_cast %add3A_206 : vector<16xf32> to vector<1x16xf32>
      tpu.vector_store %arg13[%swap3A_212, %swap3A_213], %swap3A_216 {strides = array<i32>} : memref<128x128xf32, #tpu.memory_space<vmem>>, vector<1x16xf32>,
    }
    %scan3A_11 = arith.constant 128 : i32
    %mul3A_12 = arith.constant 2048 : i32
    %mul3A_13 = arith.muli %arg0, %mul3A_12 : i32
    %mul3A_14 = arith.constant 128 : i32
    %mul3A_15 = arith.muli %arg1, %mul3A_14 : i32
    %add3A_16 = arith.addi %mul3A_13, %mul3A_15 : i32
    "tpu.region"() ({
      %run_scoped3A = tpu.sem_alloc : memref<!tpu.dma_semaphore, #tpu.memory_space<semaphore_mem>>
      %dma_start3A_120 = arith.constant 0 : i32
      %dma_start3A_121 = tpu.memref_slice %arg8[%add3A_16, %dma_start3A_120] : memref<4096x128xf32, #tpu.memory_space<hbm>> -> memref<128x128xf32, #tpu.memory_space<hbm>>
      %dma_start3A_122 = arith.constant 0 : i32
      %dma_start3A_123 = tpu.memref_slice %arg8[%add3A_16, %dma_start3A_122] : memref<4096x128xf32, #tpu.memory_space<hbm>> -> memref<128x128xf32, #tpu.memory_space<hbm>>
      tpu.enqueue_dma source(%arg13 : memref<128x128xf32, #tpu.memory_space<vmem>>) target(%dma_start3A_123 : memref<128x128xf32, #tpu.memory_space<hbm>>) target_semaphore(%run_scoped3A : memref<!tpu.dma_semaphore, #tpu.memory_space<semaphore_mem>>)
      %dma_wait3A_124 = arith.constant 0 : i32
      %dma_wait3A_125 = tpu.memref_slice %arg8[%add3A_16, %dma_wait3A_124] : memref<4096x128xf32, #tpu.memory_space<hbm>> -> memref<128x128xf32, #tpu.memory_space<hbm>>
      %dma_wait3A_126 = arith.constant 0 : i32
      %dma_wait3A_127 = tpu.memref_slice %arg8[%add3A_16, %dma_wait3A_126] : memref<4096x128xf32, #tpu.memory_space<hbm>> -> memref<128x128xf32, #tpu.memory_space<hbm>>
      tpu.wait_dma2 semaphore(%run_scoped3A : memref<!tpu.dma_semaphore, #tpu.memory_space<semaphore_mem>>) src(%arg13 : memref<128x128xf32, #tpu.memory_space<vmem>>) dst(%dma_wait3A_127 : memref<128x128xf32, #tpu.memory_space<hbm>>)
      tpu.yield
    }) : () -> ()
    %mul3A_17 = arith.constant 128 : i32
    %mul3A_18 = arith.muli %add3A, %mul3A_17 : i32
    "tpu.region"() ({
      %run_scoped3A = tpu.sem_alloc : memref<!tpu.dma_semaphore, #tpu.memory_space<semaphore_mem>>
      %dma_start3A_120 = arith.constant 0 : i32
      %dma_start3A_121 = tpu.memref_slice %arg2[%mul3A_18, %dma_start3A_120] : memref<4096x64xi32, #tpu.memory_space<hbm>> -> memref<128x64xi32, #tpu.memory_space<hbm>>
      %dma_start3A_122 = arith.constant 0 : i32
      %dma_start3A_123 = tpu.memref_slice %arg2[%mul3A_18, %dma_start3A_122] : memref<4096x64xi32, #tpu.memory_space<hbm>> -> memref<128x64xi32, #tpu.memory_space<hbm>>
      tpu.enqueue_dma source(%dma_start3A_123 : memref<128x64xi32, #tpu.memory_space<hbm>>) target(%arg14 : memref<128x64xi32, #tpu.memory_space<vmem>>) target_semaphore(%run_scoped3A : memref<!tpu.dma_semaphore, #tpu.memory_space<semaphore_mem>>)
      %dma_wait3A_124 = arith.constant 0 : i32
      %dma_wait3A_125 = tpu.memref_slice %arg2[%mul3A_18, %dma_wait3A_124] : memref<4096x64xi32, #tpu.memory_space<hbm>> -> memref<128x64xi32, #tpu.memory_space<hbm>>
      %dma_wait3A_126 = arith.constant 0 : i32
      %dma_wait3A_127 = tpu.memref_slice %arg2[%mul3A_18, %dma_wait3A_126] : memref<4096x64xi32, #tpu.memory_space<hbm>> -> memref<128x64xi32, #tpu.memory_space<hbm>>
      tpu.wait_dma2 semaphore(%run_scoped3A : memref<!tpu.dma_semaphore, #tpu.memory_space<semaphore_mem>>) src(%dma_wait3A_127 : memref<128x64xi32, #tpu.memory_space<hbm>>) dst(%arg14 : memref<128x64xi32, #tpu.memory_space<vmem>>)
      tpu.yield
    }) : () -> ()
    "tpu.region"() ({
      %run_scoped3A = tpu.sem_alloc : memref<!tpu.dma_semaphore, #tpu.memory_space<semaphore_mem>>
      %dma_start3A_120 = arith.constant 0 : i32
      %dma_start3A_121 = tpu.memref_slice %arg3[%mul3A_18, %dma_start3A_120] : memref<4096x64xi32, #tpu.memory_space<hbm>> -> memref<128x64xi32, #tpu.memory_space<hbm>>
      %dma_start3A_122 = arith.constant 0 : i32
      %dma_start3A_123 = tpu.memref_slice %arg3[%mul3A_18, %dma_start3A_122] : memref<4096x64xi32, #tpu.memory_space<hbm>> -> memref<128x64xi32, #tpu.memory_space<hbm>>
      tpu.enqueue_dma source(%dma_start3A_123 : memref<128x64xi32, #tpu.memory_space<hbm>>) target(%arg15 : memref<128x64xi32, #tpu.memory_space<vmem>>) target_semaphore(%run_scoped3A : memref<!tpu.dma_semaphore, #tpu.memory_space<semaphore_mem>>)
      %dma_wait3A_124 = arith.constant 0 : i32
      %dma_wait3A_125 = tpu.memref_slice %arg3[%mul3A_18, %dma_wait3A_124] : memref<4096x64xi32, #tpu.memory_space<hbm>> -> memref<128x64xi32, #tpu.memory_space<hbm>>
      %dma_wait3A_126 = arith.constant 0 : i32
      %dma_wait3A_127 = tpu.memref_slice %arg3[%mul3A_18, %dma_wait3A_126] : memref<4096x64xi32, #tpu.memory_space<hbm>> -> memref<128x64xi32, #tpu.memory_space<hbm>>
      tpu.wait_dma2 semaphore(%run_scoped3A : memref<!tpu.dma_semaphore, #tpu.memory_space<semaphore_mem>>) src(%dma_wait3A_127 : memref<128x64xi32, #tpu.memory_space<hbm>>) dst(%arg15 : memref<128x64xi32, #tpu.memory_space<vmem>>)
      tpu.yield
    }) : () -> ()
    %mul3A_19 = arith.constant 2048 : i32
    %mul3A_20 = arith.muli %arg0, %mul3A_19 : i32
    %scan3A_21 = arith.constant 0 : i32
    %scan3A_22 = arith.constant 0 : i32
    %scan3A_23 = arith.constant 512 : i32
    %scan3A_24 = arith.addi %scan3A_22, %scan3A_23 : i32
    %scan3A_25 = arith.constant 1 : i32
    scf.for %scan3A_120 = %scan3A_22 to %scan3A_24 step %scan3A_25  : i32 {
      %jit3A = arith.constant 4 : i32
      %div3A = arith.divsi %scan3A_120, %jit3A : i32
      %sign3A = arith.constant 0 : i32
      %sign3A_121 = arith.cmpi sgt, %scan3A_120, %sign3A : i32
      %sign3A_122 = arith.extui %sign3A_121 : i1 to i32
      %sign3A_123 = arith.constant 0 : i32
      %sign3A_124 = arith.cmpi slt, %scan3A_120, %sign3A_123 : i32
      %sign3A_125 = arith.extui %sign3A_124 : i1 to i32
      %sign3A_126 = arith.subi %sign3A_122, %sign3A_125 : i32
      %sign3A_127 = arith.constant 0 : i32
      %sign3A_128 = arith.cmpi sgt, %jit3A, %sign3A_127 : i32
      %sign3A_129 = arith.extui %sign3A_128 : i1 to i32
      %sign3A_130 = arith.constant 0 : i32
      %sign3A_131 = arith.cmpi slt, %jit3A, %sign3A_130 : i32
      %sign3A_132 = arith.extui %sign3A_131 : i1 to i32
      %sign3A_133 = arith.subi %sign3A_129, %sign3A_132 : i32
      %ne3A = arith.cmpi ne, %sign3A_126, %sign3A_133 : i32
      %rem3A = arith.remsi %scan3A_120, %jit3A : i32
      %ne3A_134 = arith.constant 0 : i32
      %ne3A_135 = arith.cmpi ne, %rem3A, %ne3A_134 : i32
      %and3A = arith.andi %ne3A, %ne3A_135 : i1
      %sub3A = arith.constant 1 : i32
      %sub3A_136 = arith.subi %div3A, %sub3A : i32
      %select_n3A = arith.select %and3A, %sub3A_136, %div3A : i32
      %mul3A_137 = arith.constant 4 : i32
      %mul3A_138 = arith.muli %select_n3A, %mul3A_137 : i32
      %sub3A_139 = arith.subi %scan3A_120, %mul3A_138 : i32
      %mul3A_140 = arith.constant 16 : i32
      %mul3A_141 = arith.muli %sub3A_139, %mul3A_140 : i32
      %get3A = arith.index_cast %select_n3A : i32 to index
      %get3A_142 = arith.index_cast %mul3A_141 : i32 to index
      %get3A_143 = tpu.vector_load %arg14[%get3A, %get3A_142] {strides = array<i32>} : memref<128x64xi32, #tpu.memory_space<vmem>>, vector<1x16xi32>,
      %get3A_144 = vector.shape_cast %get3A_143 : vector<1x16xi32> to vector<16xi32>
      %mul3A_145 = arith.constant 16 : i32
      %mul3A_146 = arith.muli %sub3A_139, %mul3A_145 : i32
      %get3A_147 = arith.index_cast %select_n3A : i32 to index
      %get3A_148 = arith.index_cast %mul3A_146 : i32 to index
      %get3A_149 = tpu.vector_load %arg15[%get3A_147, %get3A_148] {strides = array<i32>} : memref<128x64xi32, #tpu.memory_space<vmem>>, vector<1x16xi32>,
      %get3A_150 = vector.shape_cast %get3A_149 : vector<1x16xi32> to vector<16xi32>
      %iota3A = tpu.iota {dimensions = array<i32: 0>} : vector<16xi32>
      %mul3A_151 = arith.constant 16 : i32
      %mul3A_152 = arith.muli %sub3A_139, %mul3A_151 : i32
      %add3A_153 = vector.broadcast %mul3A_152 : i32 to vector<16xi32>
      %add3A_154 = arith.addi %iota3A, %add3A_153 : vector<16xi32>
      %mul3A_155 = arith.constant 32 : i32
      %mul3A_156 = vector.broadcast %mul3A_155 : i32 to vector<16xi32>
      %mul3A_157 = arith.muli %add3A_154, %mul3A_156 : vector<16xi32>
      %mul3A_158 = arith.constant 3 : i32
      %mul3A_159 = vector.broadcast %mul3A_158 : i32 to vector<16xi32>
      %mul3A_160 = arith.muli %get3A_144, %mul3A_159 : vector<16xi32>
      %add3A_161 = arith.addi %mul3A_157, %mul3A_160 : vector<16xi32>
      %add3A_162 = arith.addi %add3A_161, %get3A_150 : vector<16xi32>
      %add3A_163 = vector.broadcast %mul3A_20 : i32 to vector<16xi32>
      %add3A_164 = arith.addi %add3A_162, %add3A_163 : vector<16xi32>
      %mul3A_165 = arith.constant 16 : i32
      %mul3A_166 = arith.muli %sub3A_139, %mul3A_165 : i32
      %swap3A = arith.index_cast %select_n3A : i32 to index
      %swap3A_167 = arith.index_cast %mul3A_166 : i32 to index
      %swap3A_168 = tpu.vector_load %arg16[%swap3A, %swap3A_167] {strides = array<i32>} : memref<128x64xi32, #tpu.memory_space<vmem>>, vector<1x16xi32>,
      %swap3A_169 = vector.shape_cast %swap3A_168 : vector<1x16xi32> to vector<16xi32>
      %swap3A_170 = vector.shape_cast %add3A_164 : vector<16xi32> to vector<1x16xi32>
      tpu.vector_store %arg16[%swap3A, %swap3A_167], %swap3A_170 {strides = array<i32>} : memref<128x64xi32, #tpu.memory_space<vmem>>, vector<1x16xi32>,
    }
    %scan3A_26 = arith.constant 512 : i32
    %barrier3A = arith.constant 0 : index
    tpu.barrier barrier_id(%barrier3A)
    %dma_start3A = arith.constant 0 : i32
    %dma_start3A_27 = arith.constant 0 : i32
    %dma_start3A_28 = arith.constant 0 : i32
    %dma_start3A_29 = arith.constant 0 : i32
    %dma_start3A_30 = arith.constant 0 : i32
    %dma_start3A_31 = tpu.memref_slice %arg17[%dma_start3A_27, %dma_start3A_29, %dma_start3A_30] : memref<4x64x128xf32, #tpu.memory_space<vmem>> -> memref<1x64x128xf32, #tpu.memory_space<vmem>>
    %dma_start3A_32 = tpu.memref_squeeze %dma_start3A_31 : memref<1x64x128xf32, #tpu.memory_space<vmem>> -> memref<64x128xf32, #tpu.memory_space<vmem>>
    %dma_start3A_33 = arith.constant 0 : i32
    %dma_start3A_34 = tpu.memref_slice %arg16[%dma_start3A, %dma_start3A_33] : memref<128x64xi32, #tpu.memory_space<vmem>> -> memref<1x64xi32, #tpu.memory_space<vmem>>
    %dma_start3A_35 = tpu.memref_squeeze %dma_start3A_34 : memref<1x64xi32, #tpu.memory_space<vmem>> -> memref<64xi32, #tpu.memory_space<vmem>>
    %dma_start3A_36 = arith.constant 0 : i32
    %dma_start3A_37 = arith.constant 0 : i32
    %dma_start3A_38 = tpu.memref_slice %arg8[%dma_start3A_36, %dma_start3A_37] : memref<4096x128xf32, #tpu.memory_space<hbm>> -> memref<4096x128xf32, #tpu.memory_space<hbm>>
    %dma_start3A_39 = tpu.memref_slice %arg19[%dma_start3A_28] : memref<4x!tpu.dma_semaphore, #tpu.memory_space<semaphore_mem>> -> memref<1x!tpu.dma_semaphore, #tpu.memory_space<semaphore_mem>>
    %dma_start3A_40 = tpu.memref_squeeze %dma_start3A_39 : memref<1x!tpu.dma_semaphore, #tpu.memory_space<semaphore_mem>> -> memref<!tpu.dma_semaphore, #tpu.memory_space<semaphore_mem>>
    tpu.enqueue_indirect_dma source(%dma_start3A_38 : memref<4096x128xf32, #tpu.memory_space<hbm>>) target(%dma_start3A_32 : memref<64x128xf32, #tpu.memory_space<vmem>>) offsets(%dma_start3A_35 : memref<64xi32, #tpu.memory_space<vmem>>) semaphore(%dma_start3A_40 : memref<!tpu.dma_semaphore, #tpu.memory_space<semaphore_mem>>)
    %dma_start3A_41 = arith.constant 1 : i32
    %dma_start3A_42 = arith.constant 1 : i32
    %dma_start3A_43 = arith.constant 1 : i32
    %dma_start3A_44 = arith.constant 0 : i32
    %dma_start3A_45 = arith.constant 0 : i32
    %dma_start3A_46 = tpu.memref_slice %arg17[%dma_start3A_42, %dma_start3A_44, %dma_start3A_45] : memref<4x64x128xf32, #tpu.memory_space<vmem>> -> memref<1x64x128xf32, #tpu.memory_space<vmem>>
    %dma_start3A_47 = tpu.memref_squeeze %dma_start3A_46 : memref<1x64x128xf32, #tpu.memory_space<vmem>> -> memref<64x128xf32, #tpu.memory_space<vmem>>
    %dma_start3A_48 = arith.constant 0 : i32
    %dma_start3A_49 = tpu.memref_slice %arg16[%dma_start3A_41, %dma_start3A_48] : memref<128x64xi32, #tpu.memory_space<vmem>> -> memref<1x64xi32, #tpu.memory_space<vmem>>
    %dma_start3A_50 = tpu.memref_squeeze %dma_start3A_49 : memref<1x64xi32, #tpu.memory_space<vmem>> -> memref<64xi32, #tpu.memory_space<vmem>>
    %dma_start3A_51 = arith.constant 0 : i32
    %dma_start3A_52 = arith.constant 0 : i32
    %dma_start3A_53 = tpu.memref_slice %arg8[%dma_start3A_51, %dma_start3A_52] : memref<4096x128xf32, #tpu.memory_space<hbm>> -> memref<4096x128xf32, #tpu.memory_space<hbm>>
    %dma_start3A_54 = tpu.memref_slice %arg19[%dma_start3A_43] : memref<4x!tpu.dma_semaphore, #tpu.memory_space<semaphore_mem>> -> memref<1x!tpu.dma_semaphore, #tpu.memory_space<semaphore_mem>>
    %dma_start3A_55 = tpu.memref_squeeze %dma_start3A_54 : memref<1x!tpu.dma_semaphore, #tpu.memory_space<semaphore_mem>> -> memref<!tpu.dma_semaphore, #tpu.memory_space<semaphore_mem>>
    tpu.enqueue_indirect_dma source(%dma_start3A_53 : memref<4096x128xf32, #tpu.memory_space<hbm>>) target(%dma_start3A_47 : memref<64x128xf32, #tpu.memory_space<vmem>>) offsets(%dma_start3A_50 : memref<64xi32, #tpu.memory_space<vmem>>) semaphore(%dma_start3A_55 : memref<!tpu.dma_semaphore, #tpu.memory_space<semaphore_mem>>)
    %dma_start3A_56 = arith.constant 2 : i32
    %dma_start3A_57 = arith.constant 2 : i32
    %dma_start3A_58 = arith.constant 2 : i32
    %dma_start3A_59 = arith.constant 0 : i32
    %dma_start3A_60 = arith.constant 0 : i32
    %dma_start3A_61 = tpu.memref_slice %arg17[%dma_start3A_57, %dma_start3A_59, %dma_start3A_60] : memref<4x64x128xf32, #tpu.memory_space<vmem>> -> memref<1x64x128xf32, #tpu.memory_space<vmem>>
    %dma_start3A_62 = tpu.memref_squeeze %dma_start3A_61 : memref<1x64x128xf32, #tpu.memory_space<vmem>> -> memref<64x128xf32, #tpu.memory_space<vmem>>
    %dma_start3A_63 = arith.constant 0 : i32
    %dma_start3A_64 = tpu.memref_slice %arg16[%dma_start3A_56, %dma_start3A_63] : memref<128x64xi32, #tpu.memory_space<vmem>> -> memref<1x64xi32, #tpu.memory_space<vmem>>
    %dma_start3A_65 = tpu.memref_squeeze %dma_start3A_64 : memref<1x64xi32, #tpu.memory_space<vmem>> -> memref<64xi32, #tpu.memory_space<vmem>>
    %dma_start3A_66 = arith.constant 0 : i32
    %dma_start3A_67 = arith.constant 0 : i32
    %dma_start3A_68 = tpu.memref_slice %arg8[%dma_start3A_66, %dma_start3A_67] : memref<4096x128xf32, #tpu.memory_space<hbm>> -> memref<4096x128xf32, #tpu.memory_space<hbm>>
    %dma_start3A_69 = tpu.memref_slice %arg19[%dma_start3A_58] : memref<4x!tpu.dma_semaphore, #tpu.memory_space<semaphore_mem>> -> memref<1x!tpu.dma_semaphore, #tpu.memory_space<semaphore_mem>>
    %dma_start3A_70 = tpu.memref_squeeze %dma_start3A_69 : memref<1x!tpu.dma_semaphore, #tpu.memory_space<semaphore_mem>> -> memref<!tpu.dma_semaphore, #tpu.memory_space<semaphore_mem>>
    tpu.enqueue_indirect_dma source(%dma_start3A_68 : memref<4096x128xf32, #tpu.memory_space<hbm>>) target(%dma_start3A_62 : memref<64x128xf32, #tpu.memory_space<vmem>>) offsets(%dma_start3A_65 : memref<64xi32, #tpu.memory_space<vmem>>) semaphore(%dma_start3A_70 : memref<!tpu.dma_semaphore, #tpu.memory_space<semaphore_mem>>)
    %scan3A_71 = arith.constant 0 : i32
    %scan3A_72 = arith.constant 0 : i32
    %scan3A_73 = arith.constant 128 : i32
    %scan3A_74 = arith.addi %scan3A_72, %scan3A_73 : i32
    %scan3A_75 = arith.constant 1 : i32
    scf.for %scan3A_120 = %scan3A_72 to %scan3A_74 step %scan3A_75  : i32 {
      %rem3A = arith.constant 4 : i32
      %rem3A_121 = arith.remsi %scan3A_120, %rem3A : i32
      %and3A = arith.constant 1 : i32
      %and3A_122 = arith.andi %scan3A_120, %and3A : i32
      %dma_wait3A_123 = arith.constant 0 : i32
      %dma_wait3A_124 = arith.constant 0 : i32
      %dma_wait3A_125 = tpu.memref_slice %arg17[%rem3A_121, %dma_wait3A_123, %dma_wait3A_124] : memref<4x64x128xf32, #tpu.memory_space<vmem>> -> memref<1x64x128xf32, #tpu.memory_space<vmem>>
      %dma_wait3A_126 = tpu.memref_squeeze %dma_wait3A_125 : memref<1x64x128xf32, #tpu.memory_space<vmem>> -> memref<64x128xf32, #tpu.memory_space<vmem>>
      %dma_wait3A_127 = arith.constant 0 : i32
      %dma_wait3A_128 = tpu.memref_slice %arg16[%scan3A_120, %dma_wait3A_127] : memref<128x64xi32, #tpu.memory_space<vmem>> -> memref<1x64xi32, #tpu.memory_space<vmem>>
      %dma_wait3A_129 = tpu.memref_squeeze %dma_wait3A_128 : memref<1x64xi32, #tpu.memory_space<vmem>> -> memref<64xi32, #tpu.memory_space<vmem>>
      %dma_wait3A_130 = arith.constant 0 : i32
      %dma_wait3A_131 = arith.constant 0 : i32
      %dma_wait3A_132 = tpu.memref_slice %arg8[%dma_wait3A_130, %dma_wait3A_131] : memref<4096x128xf32, #tpu.memory_space<hbm>> -> memref<4096x128xf32, #tpu.memory_space<hbm>>
      %dma_wait3A_133 = tpu.memref_slice %arg19[%rem3A_121] : memref<4x!tpu.dma_semaphore, #tpu.memory_space<semaphore_mem>> -> memref<1x!tpu.dma_semaphore, #tpu.memory_space<semaphore_mem>>
      %dma_wait3A_134 = tpu.memref_squeeze %dma_wait3A_133 : memref<1x!tpu.dma_semaphore, #tpu.memory_space<semaphore_mem>> -> memref<!tpu.dma_semaphore, #tpu.memory_space<semaphore_mem>>
      tpu.wait_indirect_dma semaphore(%dma_wait3A_134 : memref<!tpu.dma_semaphore, #tpu.memory_space<semaphore_mem>>) src(%dma_wait3A_132 : memref<4096x128xf32, #tpu.memory_space<hbm>>) dst(%dma_wait3A_126 : memref<64x128xf32, #tpu.memory_space<vmem>>)
      %add3A_135 = arith.constant 4 : i32
      %add3A_136 = arith.addi %scan3A_120, %add3A_135 : i32
      %sub3A = arith.constant 1 : i32
      %sub3A_137 = arith.subi %add3A_136, %sub3A : i32
      %lt3A = arith.constant 128 : i32
      %lt3A_138 = arith.cmpi slt, %sub3A_137, %lt3A : i32
      %convert_element_type3A = arith.extui %lt3A_138 : i1 to i32
      %cond3A = arith.constant 0 : i32
      %cond3A_139 = arith.cmpi ne, %convert_element_type3A, %cond3A : i32
      scf.if %cond3A_139 {
        %add3A_169 = arith.constant 4 : i32
        %add3A_170 = arith.addi %scan3A_120, %add3A_169 : i32
        %sub3A_171 = arith.constant 1 : i32
        %sub3A_172 = arith.subi %add3A_170, %sub3A_171 : i32
        %add3A_173 = arith.constant 4 : i32
        %add3A_174 = arith.addi %scan3A_120, %add3A_173 : i32
        %sub3A_175 = arith.constant 1 : i32
        %sub3A_176 = arith.subi %add3A_174, %sub3A_175 : i32
        %rem3A_177 = arith.constant 4 : i32
        %rem3A_178 = arith.remsi %sub3A_176, %rem3A_177 : i32
        %dma_start3A_179 = arith.constant 0 : i32
        %dma_start3A_180 = arith.constant 0 : i32
        %dma_start3A_181 = tpu.memref_slice %arg17[%rem3A_178, %dma_start3A_179, %dma_start3A_180] : memref<4x64x128xf32, #tpu.memory_space<vmem>> -> memref<1x64x128xf32, #tpu.memory_space<vmem>>
        %dma_start3A_182 = tpu.memref_squeeze %dma_start3A_181 : memref<1x64x128xf32, #tpu.memory_space<vmem>> -> memref<64x128xf32, #tpu.memory_space<vmem>>
        %dma_start3A_183 = arith.constant 0 : i32
        %dma_start3A_184 = tpu.memref_slice %arg16[%sub3A_172, %dma_start3A_183] : memref<128x64xi32, #tpu.memory_space<vmem>> -> memref<1x64xi32, #tpu.memory_space<vmem>>
        %dma_start3A_185 = tpu.memref_squeeze %dma_start3A_184 : memref<1x64xi32, #tpu.memory_space<vmem>> -> memref<64xi32, #tpu.memory_space<vmem>>
        %dma_start3A_186 = arith.constant 0 : i32
        %dma_start3A_187 = arith.constant 0 : i32
        %dma_start3A_188 = tpu.memref_slice %arg8[%dma_start3A_186, %dma_start3A_187] : memref<4096x128xf32, #tpu.memory_space<hbm>> -> memref<4096x128xf32, #tpu.memory_space<hbm>>
        %dma_start3A_189 = tpu.memref_slice %arg19[%rem3A_178] : memref<4x!tpu.dma_semaphore, #tpu.memory_space<semaphore_mem>> -> memref<1x!tpu.dma_semaphore, #tpu.memory_space<semaphore_mem>>
        %dma_start3A_190 = tpu.memref_squeeze %dma_start3A_189 : memref<1x!tpu.dma_semaphore, #tpu.memory_space<semaphore_mem>> -> memref<!tpu.dma_semaphore, #tpu.memory_space<semaphore_mem>>
        tpu.enqueue_indirect_dma source(%dma_start3A_188 : memref<4096x128xf32, #tpu.memory_space<hbm>>) target(%dma_start3A_182 : memref<64x128xf32, #tpu.memory_space<vmem>>) offsets(%dma_start3A_185 : memref<64xi32, #tpu.memory_space<vmem>>) semaphore(%dma_start3A_190 : memref<!tpu.dma_semaphore, #tpu.memory_space<semaphore_mem>>)
      } else {
      }
      %ge3A = arith.constant 2 : i32
      %ge3A_140 = arith.cmpi sge, %scan3A_120, %ge3A : i32
      %convert_element_type3A_141 = arith.extui %ge3A_140 : i1 to i32
      %cond3A_142 = arith.constant 0 : i32
      %cond3A_143 = arith.cmpi ne, %convert_element_type3A_141, %cond3A_142 : i32
      scf.if %cond3A_143 {
        %sub3A_169 = arith.constant 2 : i32
        %sub3A_170 = arith.subi %scan3A_120, %sub3A_169 : i32
        %add3A_171 = arith.addi %mul3A_18, %sub3A_170 : i32
        %dma_wait3A_172 = arith.constant 0 : i32
        %dma_wait3A_173 = arith.constant 0 : i32
        %dma_wait3A_174 = tpu.memref_slice %arg18[%and3A_122, %dma_wait3A_172, %dma_wait3A_173] : memref<2x64x64xf32, #tpu.memory_space<vmem>> -> memref<1x64x64xf32, #tpu.memory_space<vmem>>
        %dma_wait3A_175 = tpu.memref_squeeze %dma_wait3A_174 : memref<1x64x64xf32, #tpu.memory_space<vmem>> -> memref<64x64xf32, #tpu.memory_space<vmem>>
        %dma_wait3A_176 = arith.constant 0 : i32
        %dma_wait3A_177 = arith.constant 0 : i32
        %dma_wait3A_178 = tpu.memref_slice %arg7[%add3A_171, %dma_wait3A_176, %dma_wait3A_177] : memref<4096x64x64xf32, #tpu.memory_space<hbm>> -> memref<1x64x64xf32, #tpu.memory_space<hbm>>
        %dma_wait3A_179 = tpu.memref_squeeze %dma_wait3A_178 : memref<1x64x64xf32, #tpu.memory_space<hbm>> -> memref<64x64xf32, #tpu.memory_space<hbm>>
        %dma_wait3A_180 = tpu.memref_slice %arg20[%and3A_122] : memref<2x!tpu.dma_semaphore, #tpu.memory_space<semaphore_mem>> -> memref<1x!tpu.dma_semaphore, #tpu.memory_space<semaphore_mem>>
        %dma_wait3A_181 = tpu.memref_squeeze %dma_wait3A_180 : memref<1x!tpu.dma_semaphore, #tpu.memory_space<semaphore_mem>> -> memref<!tpu.dma_semaphore, #tpu.memory_space<semaphore_mem>>
        %dma_wait3A_182 = arith.constant 0 : i32
        %dma_wait3A_183 = arith.constant 0 : i32
        %dma_wait3A_184 = tpu.memref_slice %arg7[%add3A_171, %dma_wait3A_182, %dma_wait3A_183] : memref<4096x64x64xf32, #tpu.memory_space<hbm>> -> memref<1x64x64xf32, #tpu.memory_space<hbm>>
        %dma_wait3A_185 = tpu.memref_squeeze %dma_wait3A_184 : memref<1x64x64xf32, #tpu.memory_space<hbm>> -> memref<64x64xf32, #tpu.memory_space<hbm>>
        %dma_wait3A_186 = arith.constant 0 : i32
        %dma_wait3A_187 = arith.constant 0 : i32
        %dma_wait3A_188 = tpu.memref_slice %arg18[%and3A_122, %dma_wait3A_186, %dma_wait3A_187] : memref<2x64x64xf32, #tpu.memory_space<vmem>> -> memref<1x64x64xf32, #tpu.memory_space<vmem>>
        %dma_wait3A_189 = tpu.memref_squeeze %dma_wait3A_188 : memref<1x64x64xf32, #tpu.memory_space<vmem>> -> memref<64x64xf32, #tpu.memory_space<vmem>>
        tpu.wait_dma2 semaphore(%dma_wait3A_181 : memref<!tpu.dma_semaphore, #tpu.memory_space<semaphore_mem>>) src(%dma_wait3A_189 : memref<64x64xf32, #tpu.memory_space<vmem>>) dst(%dma_wait3A_185 : memref<64x64xf32, #tpu.memory_space<hbm>>)
      } else {
      }
      %scan3A_144 = arith.constant 0 : i32
      %scan3A_145 = arith.constant 0 : i32
      %scan3A_146 = arith.constant 64 : i32
      %scan3A_147 = arith.addi %scan3A_145, %scan3A_146 : i32
      %scan3A_148 = arith.constant 1 : i32
      scf.for %scan3A_169 = %scan3A_145 to %scan3A_147 step %scan3A_148  : i32 {
        %get3A = arith.index_cast %rem3A_121 : i32 to index
        %get3A_170 = arith.index_cast %scan3A_169 : i32 to index
        %get3A_171 = arith.constant 0 : index
        %get3A_172 = tpu.vector_load %arg17[%get3A, %get3A_170, %get3A_171] {strides = array<i32>} : memref<4x64x128xf32, #tpu.memory_space<vmem>>, vector<1x1x16xf32>,
        %get3A_173 = vector.shape_cast %get3A_172 : vector<1x1x16xf32> to vector<16xf32>
        %swap3A = arith.index_cast %and3A_122 : i32 to index
        %swap3A_174 = arith.index_cast %scan3A_169 : i32 to index
        %swap3A_175 = arith.constant 0 : index
        %swap3A_176 = tpu.vector_load %arg18[%swap3A, %swap3A_174, %swap3A_175] {strides = array<i32>} : memref<2x64x64xf32, #tpu.memory_space<vmem>>, vector<1x1x16xf32>,
        %swap3A_177 = vector.shape_cast %swap3A_176 : vector<1x1x16xf32> to vector<16xf32>
        %swap3A_178 = vector.shape_cast %get3A_173 : vector<16xf32> to vector<1x1x16xf32>
        tpu.vector_store %arg18[%swap3A, %swap3A_174, %swap3A_175], %swap3A_178 {strides = array<i32>} : memref<2x64x64xf32, #tpu.memory_space<vmem>>, vector<1x1x16xf32>,
        %get3A_179 = arith.index_cast %rem3A_121 : i32 to index
        %get3A_180 = arith.index_cast %scan3A_169 : i32 to index
        %get3A_181 = arith.constant 16 : index
        %get3A_182 = tpu.vector_load %arg17[%get3A_179, %get3A_180, %get3A_181] {strides = array<i32>} : memref<4x64x128xf32, #tpu.memory_space<vmem>>, vector<1x1x16xf32>,
        %get3A_183 = vector.shape_cast %get3A_182 : vector<1x1x16xf32> to vector<16xf32>
        %swap3A_184 = arith.index_cast %and3A_122 : i32 to index
        %swap3A_185 = arith.index_cast %scan3A_169 : i32 to index
        %swap3A_186 = arith.constant 16 : index
        %swap3A_187 = tpu.vector_load %arg18[%swap3A_184, %swap3A_185, %swap3A_186] {strides = array<i32>} : memref<2x64x64xf32, #tpu.memory_space<vmem>>, vector<1x1x16xf32>,
        %swap3A_188 = vector.shape_cast %swap3A_187 : vector<1x1x16xf32> to vector<16xf32>
        %swap3A_189 = vector.shape_cast %get3A_183 : vector<16xf32> to vector<1x1x16xf32>
        tpu.vector_store %arg18[%swap3A_184, %swap3A_185, %swap3A_186], %swap3A_189 {strides = array<i32>} : memref<2x64x64xf32, #tpu.memory_space<vmem>>, vector<1x1x16xf32>,
        %get3A_190 = arith.index_cast %rem3A_121 : i32 to index
        %get3A_191 = arith.index_cast %scan3A_169 : i32 to index
        %get3A_192 = arith.constant 32 : index
        %get3A_193 = tpu.vector_load %arg17[%get3A_190, %get3A_191, %get3A_192] {strides = array<i32>} : memref<4x64x128xf32, #tpu.memory_space<vmem>>, vector<1x1x16xf32>,
        %get3A_194 = vector.shape_cast %get3A_193 : vector<1x1x16xf32> to vector<16xf32>
        %swap3A_195 = arith.index_cast %and3A_122 : i32 to index
        %swap3A_196 = arith.index_cast %scan3A_169 : i32 to index
        %swap3A_197 = arith.constant 32 : index
        %swap3A_198 = tpu.vector_load %arg18[%swap3A_195, %swap3A_196, %swap3A_197] {strides = array<i32>} : memref<2x64x64xf32, #tpu.memory_space<vmem>>, vector<1x1x16xf32>,
        %swap3A_199 = vector.shape_cast %swap3A_198 : vector<1x1x16xf32> to vector<16xf32>
        %swap3A_200 = vector.shape_cast %get3A_194 : vector<16xf32> to vector<1x1x16xf32>
        tpu.vector_store %arg18[%swap3A_195, %swap3A_196, %swap3A_197], %swap3A_200 {strides = array<i32>} : memref<2x64x64xf32, #tpu.memory_space<vmem>>, vector<1x1x16xf32>,
        %get3A_201 = arith.index_cast %rem3A_121 : i32 to index
        %get3A_202 = arith.index_cast %scan3A_169 : i32 to index
        %get3A_203 = arith.constant 48 : index
        %get3A_204 = tpu.vector_load %arg17[%get3A_201, %get3A_202, %get3A_203] {strides = array<i32>} : memref<4x64x128xf32, #tpu.memory_space<vmem>>, vector<1x1x16xf32>,
        %get3A_205 = vector.shape_cast %get3A_204 : vector<1x1x16xf32> to vector<16xf32>
        %swap3A_206 = arith.index_cast %and3A_122 : i32 to index
        %swap3A_207 = arith.index_cast %scan3A_169 : i32 to index
        %swap3A_208 = arith.constant 48 : index
        %swap3A_209 = tpu.vector_load %arg18[%swap3A_206, %swap3A_207, %swap3A_208] {strides = array<i32>} : memref<2x64x64xf32, #tpu.memory_space<vmem>>, vector<1x1x16xf32>,
        %swap3A_210 = vector.shape_cast %swap3A_209 : vector<1x1x16xf32> to vector<16xf32>
        %swap3A_211 = vector.shape_cast %get3A_205 : vector<16xf32> to vector<1x1x16xf32>
        tpu.vector_store %arg18[%swap3A_206, %swap3A_207, %swap3A_208], %swap3A_211 {strides = array<i32>} : memref<2x64x64xf32, #tpu.memory_space<vmem>>, vector<1x1x16xf32>,
      }
      %scan3A_149 = arith.constant 64 : i32
      %add3A_150 = arith.addi %mul3A_18, %scan3A_120 : i32
      %dma_start3A_151 = arith.constant 0 : i32
      %dma_start3A_152 = arith.constant 0 : i32
      %dma_start3A_153 = tpu.memref_slice %arg18[%and3A_122, %dma_start3A_151, %dma_start3A_152] : memref<2x64x64xf32, #tpu.memory_space<vmem>> -> memref<1x64x64xf32, #tpu.memory_space<vmem>>
      %dma_start3A_154 = tpu.memref_squeeze %dma_start3A_153 : memref<1x64x64xf32, #tpu.memory_space<vmem>> -> memref<64x64xf32, #tpu.memory_space<vmem>>
      %dma_start3A_155 = arith.constant 0 : i32
      %dma_start3A_156 = arith.constant 0 : i32
      %dma_start3A_157 = tpu.memref_slice %arg7[%add3A_150, %dma_start3A_155, %dma_start3A_156] : memref<4096x64x64xf32, #tpu.memory_space<hbm>> -> memref<1x64x64xf32, #tpu.memory_space<hbm>>
      %dma_start3A_158 = tpu.memref_squeeze %dma_start3A_157 : memref<1x64x64xf32, #tpu.memory_space<hbm>> -> memref<64x64xf32, #tpu.memory_space<hbm>>
      %dma_start3A_159 = tpu.memref_slice %arg20[%and3A_122] : memref<2x!tpu.dma_semaphore, #tpu.memory_space<semaphore_mem>> -> memref<1x!tpu.dma_semaphore, #tpu.memory_space<semaphore_mem>>
      %dma_start3A_160 = tpu.memref_squeeze %dma_start3A_159 : memref<1x!tpu.dma_semaphore, #tpu.memory_space<semaphore_mem>> -> memref<!tpu.dma_semaphore, #tpu.memory_space<semaphore_mem>>
      %dma_start3A_161 = arith.constant 0 : i32
      %dma_start3A_162 = arith.constant 0 : i32
      %dma_start3A_163 = tpu.memref_slice %arg7[%add3A_150, %dma_start3A_161, %dma_start3A_162] : memref<4096x64x64xf32, #tpu.memory_space<hbm>> -> memref<1x64x64xf32, #tpu.memory_space<hbm>>
      %dma_start3A_164 = tpu.memref_squeeze %dma_start3A_163 : memref<1x64x64xf32, #tpu.memory_space<hbm>> -> memref<64x64xf32, #tpu.memory_space<hbm>>
      %dma_start3A_165 = arith.constant 0 : i32
      %dma_start3A_166 = arith.constant 0 : i32
      %dma_start3A_167 = tpu.memref_slice %arg18[%and3A_122, %dma_start3A_165, %dma_start3A_166] : memref<2x64x64xf32, #tpu.memory_space<vmem>> -> memref<1x64x64xf32, #tpu.memory_space<vmem>>
      %dma_start3A_168 = tpu.memref_squeeze %dma_start3A_167 : memref<1x64x64xf32, #tpu.memory_space<vmem>> -> memref<64x64xf32, #tpu.memory_space<vmem>>
      tpu.enqueue_dma source(%dma_start3A_168 : memref<64x64xf32, #tpu.memory_space<vmem>>) target(%dma_start3A_164 : memref<64x64xf32, #tpu.memory_space<hbm>>) target_semaphore(%dma_start3A_160 : memref<!tpu.dma_semaphore, #tpu.memory_space<semaphore_mem>>)
    }
    %scan3A_76 = arith.constant 128 : i32
    %add3A_77 = arith.constant 126 : i32
    %add3A_78 = arith.addi %mul3A_18, %add3A_77 : i32
    %dma_wait3A = arith.constant 0 : i32
    %dma_wait3A_79 = arith.constant 0 : i32
    %dma_wait3A_80 = arith.constant 0 : i32
    %dma_wait3A_81 = arith.constant 0 : i32
    %dma_wait3A_82 = tpu.memref_slice %arg18[%dma_wait3A, %dma_wait3A_80, %dma_wait3A_81] : memref<2x64x64xf32, #tpu.memory_space<vmem>> -> memref<1x64x64xf32, #tpu.memory_space<vmem>>
    %dma_wait3A_83 = tpu.memref_squeeze %dma_wait3A_82 : memref<1x64x64xf32, #tpu.memory_space<vmem>> -> memref<64x64xf32, #tpu.memory_space<vmem>>
    %dma_wait3A_84 = arith.constant 0 : i32
    %dma_wait3A_85 = arith.constant 0 : i32
    %dma_wait3A_86 = tpu.memref_slice %arg7[%add3A_78, %dma_wait3A_84, %dma_wait3A_85] : memref<4096x64x64xf32, #tpu.memory_space<hbm>> -> memref<1x64x64xf32, #tpu.memory_space<hbm>>
    %dma_wait3A_87 = tpu.memref_squeeze %dma_wait3A_86 : memref<1x64x64xf32, #tpu.memory_space<hbm>> -> memref<64x64xf32, #tpu.memory_space<hbm>>
    %dma_wait3A_88 = tpu.memref_slice %arg20[%dma_wait3A_79] : memref<2x!tpu.dma_semaphore, #tpu.memory_space<semaphore_mem>> -> memref<1x!tpu.dma_semaphore, #tpu.memory_space<semaphore_mem>>
    %dma_wait3A_89 = tpu.memref_squeeze %dma_wait3A_88 : memref<1x!tpu.dma_semaphore, #tpu.memory_space<semaphore_mem>> -> memref<!tpu.dma_semaphore, #tpu.memory_space<semaphore_mem>>
    %dma_wait3A_90 = arith.constant 0 : i32
    %dma_wait3A_91 = arith.constant 0 : i32
    %dma_wait3A_92 = tpu.memref_slice %arg7[%add3A_78, %dma_wait3A_90, %dma_wait3A_91] : memref<4096x64x64xf32, #tpu.memory_space<hbm>> -> memref<1x64x64xf32, #tpu.memory_space<hbm>>
    %dma_wait3A_93 = tpu.memref_squeeze %dma_wait3A_92 : memref<1x64x64xf32, #tpu.memory_space<hbm>> -> memref<64x64xf32, #tpu.memory_space<hbm>>
    %dma_wait3A_94 = arith.constant 0 : i32
    %dma_wait3A_95 = arith.constant 0 : i32
    %dma_wait3A_96 = tpu.memref_slice %arg18[%dma_wait3A, %dma_wait3A_94, %dma_wait3A_95] : memref<2x64x64xf32, #tpu.memory_space<vmem>> -> memref<1x64x64xf32, #tpu.memory_space<vmem>>
    %dma_wait3A_97 = tpu.memref_squeeze %dma_wait3A_96 : memref<1x64x64xf32, #tpu.memory_space<vmem>> -> memref<64x64xf32, #tpu.memory_space<vmem>>
    tpu.wait_dma2 semaphore(%dma_wait3A_89 : memref<!tpu.dma_semaphore, #tpu.memory_space<semaphore_mem>>) src(%dma_wait3A_97 : memref<64x64xf32, #tpu.memory_space<vmem>>) dst(%dma_wait3A_93 : memref<64x64xf32, #tpu.memory_space<hbm>>)
    %add3A_98 = arith.constant 127 : i32
    %add3A_99 = arith.addi %mul3A_18, %add3A_98 : i32
    %dma_wait3A_100 = arith.constant 1 : i32
    %dma_wait3A_101 = arith.constant 1 : i32
    %dma_wait3A_102 = arith.constant 0 : i32
    %dma_wait3A_103 = arith.constant 0 : i32
    %dma_wait3A_104 = tpu.memref_slice %arg18[%dma_wait3A_100, %dma_wait3A_102, %dma_wait3A_103] : memref<2x64x64xf32, #tpu.memory_space<vmem>> -> memref<1x64x64xf32, #tpu.memory_space<vmem>>
    %dma_wait3A_105 = tpu.memref_squeeze %dma_wait3A_104 : memref<1x64x64xf32, #tpu.memory_space<vmem>> -> memref<64x64xf32, #tpu.memory_space<vmem>>
    %dma_wait3A_106 = arith.constant 0 : i32
    %dma_wait3A_107 = arith.constant 0 : i32
    %dma_wait3A_108 = tpu.memref_slice %arg7[%add3A_99, %dma_wait3A_106, %dma_wait3A_107] : memref<4096x64x64xf32, #tpu.memory_space<hbm>> -> memref<1x64x64xf32, #tpu.memory_space<hbm>>
    %dma_wait3A_109 = tpu.memref_squeeze %dma_wait3A_108 : memref<1x64x64xf32, #tpu.memory_space<hbm>> -> memref<64x64xf32, #tpu.memory_space<hbm>>
    %dma_wait3A_110 = tpu.memref_slice %arg20[%dma_wait3A_101] : memref<2x!tpu.dma_semaphore, #tpu.memory_space<semaphore_mem>> -> memref<1x!tpu.dma_semaphore, #tpu.memory_space<semaphore_mem>>
    %dma_wait3A_111 = tpu.memref_squeeze %dma_wait3A_110 : memref<1x!tpu.dma_semaphore, #tpu.memory_space<semaphore_mem>> -> memref<!tpu.dma_semaphore, #tpu.memory_space<semaphore_mem>>
    %dma_wait3A_112 = arith.constant 0 : i32
    %dma_wait3A_113 = arith.constant 0 : i32
    %dma_wait3A_114 = tpu.memref_slice %arg7[%add3A_99, %dma_wait3A_112, %dma_wait3A_113] : memref<4096x64x64xf32, #tpu.memory_space<hbm>> -> memref<1x64x64xf32, #tpu.memory_space<hbm>>
    %dma_wait3A_115 = tpu.memref_squeeze %dma_wait3A_114 : memref<1x64x64xf32, #tpu.memory_space<hbm>> -> memref<64x64xf32, #tpu.memory_space<hbm>>
    %dma_wait3A_116 = arith.constant 0 : i32
    %dma_wait3A_117 = arith.constant 0 : i32
    %dma_wait3A_118 = tpu.memref_slice %arg18[%dma_wait3A_100, %dma_wait3A_116, %dma_wait3A_117] : memref<2x64x64xf32, #tpu.memory_space<vmem>> -> memref<1x64x64xf32, #tpu.memory_space<vmem>>
    %dma_wait3A_119 = tpu.memref_squeeze %dma_wait3A_118 : memref<1x64x64xf32, #tpu.memory_space<vmem>> -> memref<64x64xf32, #tpu.memory_space<vmem>>
    tpu.wait_dma2 semaphore(%dma_wait3A_111 : memref<!tpu.dma_semaphore, #tpu.memory_space<semaphore_mem>>) src(%dma_wait3A_119 : memref<64x64xf32, #tpu.memory_space<vmem>>) dst(%dma_wait3A_115 : memref<64x64xf32, #tpu.memory_space<hbm>>)
    return
  }
}

</mosaic_0001>

<sc_bundles>
// kernel: kernel.3.cloned.1.call-start
scs
__scs_entry_jumppad:
0x0: {  	(pc) =	sbr.rel $0x88, $3  }
0x1: {  	(tag) =	ssettag $0x0;
	lr =	simm.s32 $0x1  }
0x2: {  	[smem:$0x3F9C] =	sst lr;
	_ =	strace $0xD0000000  }
0x3: {  	_ = 	snop  }
0x4: {  	_ = 	snop  }
0x5: {  	_ = 	snop  }
0x6: {  	_ = 	snop  }
0x7: {  	_ = 	snop  }
__scs_overlays_trampoline_lowered:
0x8: {  	[smem:$0x3FAB] =	sst s0  }
0x9: {  	[smem:$0x3FAC] =	sst s1  }
0xa: {  	[smem:$0x3FAD] =	sst s2  }
0xb: {  	[smem:$0x3FAE] =	sst s3  }
0xc: {  	[smem:$0x3FAF] =	sst s4  }
0xd: {  	[smem:$0x3FB0] =	sst s5  }
0xe: {  	[smem:$0x3FB1] =	sst s6  }
0xf: {  	[smem:$0x3FB2] =	sst s7  }
0x10: {  	[smem:$0x3FB3] =	sst s8  }
0x11: {  	[smem:$0x3FB4] =	sst s9;
	s0 =	simm.s32 @!p0 $0x0  }
0x12: {  	s1 =	sld [smem:$0x3F9A];
	s0 =	simm.s32 @p0 $0x1  }
0x13: {  	[smem:$0x3FB5] =	sst s0;
	s0 =	simm.s32 @!p1 $0x0  }
0x14: {  	s2 =	sld [smem:$0x3F99];
	s0 =	simm.s32 @p1 $0x1  }
0x15: {  	[smem:$0x3FB6] =	sst s0;
	s0 =	simm.s32 @!p2 $0x0  }
0x16: {  	s3 =	sld [smem:$0x3FDB];
	s0 =	simm.s32 @p2 $0x1  }
0x17: {  	s4 =	simm.s32 $0x1BF5;
	[smem:$0x3FB8] =	sst s0  }
0x18: {  	s0 =	sld [smem:$0x3F9B];
	_ =	swait.ge [sflag:s4], $0x0  }
0x19: {  	s7 =	sld [smem:$0x3F9C]  }
0x1a: {  	s8 =	sadd.s32 $0xFFFFE003, lr  }
0x1b: {  	s9 =	sadd.s32 $0xFFFFFEF7, lr;
	s5 =	simm.s32 $0xFFFFFFFF;
	p2 =	slt.u32 s8, $0xFFFFF086  }
0x1c: {  	p1 =	slt.u32 s9, $0xF7A;
	s5 =	simm.s32 @!p2 $0x0  }
0x1d: {  	s5 =	simm.s32 @p1 $0x1;
	p0 =	seq.s32 s7, s2  }
0x1e: {  	s7 =	smul.u32 @!p0 $0xF7A, s2;
	p2 =	seq.s32 @!p0 s5, $0x0  }
0x1f: {  	s9 =	smul.u32 $0xF7A, s1;
	s8 =	simm.s32 @!p0 $0x1BF5;
	p2 =	por !p2, p0  }
0x20: {  	[sflag:s8] =	ssyncset.s32 @!p0 $0xFFFFF086;
	s6 =	sadd.s32 @!p0 s3, s7;
	s7 =	simm.s32 @!p0 $0x108  }
0x21: {  	s3 =	sadd.s32 s3, s9;
	s6 =	sadd.s32 @!p0 $0x88, s6;
	s7 =	simm.s32 @p2 $0x1082  }
0x22: {  	[simem:s7], [sflag:s8] =	dma.local @!p0 [hbm:s6], $0xF7A  }
0x23: {  	s9 =	sor.u32 $0xD0000000, s2;
	s6 =	simm.s32 $0x108;
	_ =	swait.ge @!p0 [sflag:s8], $0x0  }
0x24: {  	s3 =	sadd.s32 $0x88, s3;
	s6 =	simm.s32 @!p1 $0x1082;
	[sflag:s4] =	ssyncset.s32 $0xFFFFF086  }
0x25: {  	[simem:s6], [sflag:s4] =	dma.local [hbm:s3], $0xF7A  }
0x26: {  	[smem:$0x3F9C] =	sst s1;
	(tag) =	ssettag s2;
	_ =	strace s9  }
0x27: {  	s1 =	sld [smem:$0x3FAC]  }
0x28: {  	s2 =	sld [smem:$0x3FAD]  }
0x29: {  	s4 =	sld [smem:$0x3FAF]  }
0x2a: {  	p0 =	seq.s32 s5, $0x0;
	s5 =	sld [smem:$0x3FB0]  }
0x2b: {  	s6 =	sld [smem:$0x3FB1]  }
0x2c: {  	s7 =	sld [smem:$0x3FB2]  }
0x2d: {  	s3 =	simm.s32 $0x108;
	s8 =	sld [smem:$0x3FB3]  }
0x2e: {  	s3 =	simm.s32 @!p0 $0x1082;
	s9 =	sld [smem:$0x3FB4]  }
0x2f: {  	lr =	sadd.s32 s0, s3;
	s0 =	sld [smem:$0x3FAB]  }
0x30: {  	s3 =	sld [smem:$0x3FAE]  }
0x31: {  	[smem:$0x3FB7] =	sst s10  }
0x32: {  	s10 =	sld [smem:$0x3FB5];
	_ =	sdelay $0x3  }
0x33: {  	p0 =	seq.s32 s10, $0x1;
	s10 =	sld [smem:$0x3FB7];
	_ =	sdelay $0x3  }
0x34: {  	[smem:$0x3FB7] =	sst s10  }
0x35: {  	s10 =	sld [smem:$0x3FB6];
	_ =	sdelay $0x3  }
0x36: {  	p1 =	seq.s32 s10, $0x1;
	s10 =	sld [smem:$0x3FB7];
	_ =	sdelay $0x3  }
0x37: {  	[smem:$0x3FB7] =	sst s10  }
0x38: {  	s10 =	sld [smem:$0x3FB8]  }
0x39: {  	_ = 	snop;
	(pc) =	sbr.ind lr, $3  }
0x3a: {  	_ = 	snop  }
0x3b: {  	_ = 	snop  }
0x3c: {  	p2 =	seq.s32 s10, $0x1;
	s10 =	sld [smem:$0x3FB7]  }
0x3d: {  	_ =	shalt  }
0x3e: {  	_ =	shalt  }
0x3f: {  	_ =	shalt  }
0x40: {  	_ =	shalt  }
0x41: {  	_ =	shalt  }
0x42: {  	_ =	shalt  }
0x43: {  	_ =	shalt  }
0x44: {  	_ =	shalt  }
0x45: {  	_ =	shalt  }
0x46: {  	_ =	shalt  }
0x47: {  	_ =	shalt  }
0x48: {  	_ =	shalt  }
0x49: {  	_ =	shalt  }
0x4a: {  	_ =	shalt  }
0x4b: {  	_ =	shalt  }
0x4c: {  	_ =	shalt  }
0x4d: {  	_ =	shalt  }
0x4e: {  	_ =	shalt  }
0x4f: {  	_ =	shalt  }
0x50: {  	_ =	shalt  }
0x51: {  	_ =	shalt  }
0x52: {  	_ =	shalt  }
0x53: {  	_ =	shalt  }
0x54: {  	_ =	shalt  }
0x55: {  	_ =	shalt  }
0x56: {  	_ =	shalt  }
0x57: {  	_ =	shalt  }
0x58: {  	_ =	shalt  }
0x59: {  	_ =	shalt  }
0x5a: {  	_ =	shalt  }
0x5b: {  	_ =	shalt  }
0x5c: {  	_ =	shalt  }
0x5d: {  	_ =	shalt  }
0x5e: {  	_ =	shalt  }
0x5f: {  	_ =	shalt  }
0x60: {  	_ =	shalt  }
0x61: {  	_ =	shalt  }
0x62: {  	_ =	shalt  }
0x63: {  	_ =	shalt  }
0x64: {  	_ =	shalt  }
0x65: {  	_ =	shalt  }
0x66: {  	_ =	shalt  }
0x67: {  	_ =	shalt  }
0x68: {  	_ =	shalt  }
0x69: {  	_ =	shalt  }
0x6a: {  	_ =	shalt  }
0x6b: {  	_ =	shalt  }
0x6c: {  	_ =	shalt  }
0x6d: {  	_ =	shalt  }
0x6e: {  	_ =	shalt  }
0x6f: {  	_ =	shalt  }
0x70: {  	_ =	shalt  }
0x71: {  	_ =	shalt  }
0x72: {  	_ =	shalt  }
0x73: {  	_ =	shalt  }
0x74: {  	_ =	shalt  }
0x75: {  	_ =	shalt  }
0x76: {  	_ =	shalt  }
0x77: {  	_ =	shalt  }
0x78: {  	_ =	shalt  }
0x79: {  	_ =	shalt  }
0x7a: {  	_ =	shalt  }
0x7b: {  	_ =	shalt  }
0x7c: {  	_ =	shalt  }
0x7d: {  	_ =	shalt  }
0x7e: {  	_ =	shalt  }
0x7f: {  	_ =	shalt  }
0x80: {  	_ =	shalt  }
0x81: {  	_ =	shalt  }
0x82: {  	_ =	shalt  }
0x83: {  	_ =	shalt  }
0x84: {  	_ =	shalt  }
0x85: {  	_ =	shalt  }
0x86: {  	_ =	shalt  }
0x87: {  	_ =	shalt  }
.Lfunc_end0:
.L_simem_size_0:
called_computation_lowered:
.L_overlay_start_0:
0x88: {  	s2 =	sld [smem:$0x3FD9]  }
0x89: {  	s3 =	sld [smem:$0x3FFE];
	_ =	sdelay $0x1  }
0x8a: {  	s1 =	srdreg.scid  }
0x8b: {  	s0 =	sand.u32 $0x1, s1  }
0x8c: {  	s17 =	sshll.u32 s0, $0xA;
	s2 =	sadd.s32 s3, s2  }
0x8d: {  	s2 =	sadd.s32 s2, s17  }
0x8e: {  	[smem:$0x3FC3] =	sst s2  }
0x8f: {  	_ = 	snop  }
0x90: {  	s2 =	sld [smem:$0x3FC7]  }
0x91: {  	s18 =	sld [smem:$0x3FC6]  }
0x92: {  	s4 =	sld [smem:$0x3FC5]  }
0x93: {  	s5 =	sld [smem:$0x3FD0];
	(tm) =	ssettm $0x1  }
0x94: {  	s6 =	sld [smem:$0x3FFB];
	_ =	sdelay $0x3  }
0x95: {  	_ =	strace s6  }
0x96: {  	s6 =	sld [smem:$0x3FFC];
	_ =	sdelay $0x3  }
0x97: {  	_ =	strace s6  }
0x98: {  	s6 =	sld [smem:$0x3FFD];
	_ =	sdelay $0x3  }
0x99: {  	_ =	strace s6  }
0x9a: {  	_ =	strace $0x8FFFFFFF  }
0x9b: {  	s19 =	sld [smem:$0x3FDB];
	_ =	sdelay $0x1  }
0x9c: {  	s7 =	simm.s32 $_scs_section_size  }
0x9d: {  	s8 =	simm.s32 $_size__tile_overlayer_lowered;
	s9 =	simm.s32 $_tile_overlayer_lowered  }
0x9e: {  	s22 =	simm.s32 $0x1BFF;
	s21 =	sshll.u32 s9, $0x1;
	s6 =	sadd.s32 s7, s19  }
0x9f: {  	s10 =	simm.s32 $0x0;
	s20 =	sshll.u32 s8, $0x1;
	s8 =	sadd.s32 s21, s6  }
0xa0: {  	[timem:s10], [sflag:s22] =	dma.local [hbm:s8], s20  }
0xa1: {  	_ =	swait.ge [sflag:s22], s20  }
0xa2: {  	s7 =	ssub.s32 $0x0, s20;
	[sflag:s22] =	ssyncset.done $0x0  }
0xa3: {  	[sflag:s22] =	ssyncadd.s32 s7;
	_ =	sdelay $0x1  }
0xa4: {  	s23 =	simm.s32 $0x1B8B  }
0xa5: {  	_ =	swait.ge [sflag:s23], $0x1  }
0xa6: {  	[sflag:s23] =	ssyncset.done $0x0  }
0xa7: {  	s25 =	simm.s32 $0x1B8E;
	s24 =	sld [smem:$0x3FFE];
	[sflag:s23] =	ssyncadd.s32 $0xFFFFFFFF  }
0xa8: {  	s26 =	simm.s32 $execute0_lowered;
	[smem:$0x3FD2] =	sst s25  }
0xa9: {  	s8 =	sshll.u32 s26, $0x1;
	_ =	strace $0x80000046;
	[dreg:$0x1] =	wrdreg $0xFFFFFFFF  }
0xaa: {  	s28 =	simm.s32 $_size_execute0_lowered;
	s6 =	sadd.s32 s6, s8;
	[dreg:$0x0] =	wrdreg $0x0  }
0xab: {  	s8 =	sshll.u32 s28, $0x1;
	[dreg:$0x2] =	wrdreg s6  }
0xac: {  	[dreg:$0x3] =	wrdreg s8  }
0xad: {  	[dreg:$0x4] =	wrdreg $0xC0  }
0xae: {  	_ =	task [dreg:s10], $0x5FFFF  }
0xaf: {  	[dreg:$0x1] =	wrdreg $0xFFFFFFFF  }
0xb0: {  	[dreg:$0x0] =	wrdreg $0x60  }
0xb1: {  	[dreg:$0x2] =	wrdreg s5  }
0xb2: {  	[dreg:$0x3] =	wrdreg s24  }
0xb3: {  	[dreg:$0x4] =	wrdreg s2  }
0xb4: {  	[dreg:$0x5] =	wrdreg s18  }
0xb5: {  	[dreg:$0x6] =	wrdreg s4  }
0xb6: {  	[dreg:$0x7] =	wrdreg $0x9  }
0xb7: {  	_ =	task.clear_ibuf [dreg:s10], $0x8FFFF;
	_ =	strace $0x90000046  }
0xb8: {  	s29 =	simm.s32 $0x9;
	_ =	strace $0x80000048  }
0xb9: {  	_ =	swait.ge [sflag:s29], $0x1  }
0xba: {  	[sflag:s29] =	ssyncadd.s32 $0xFFFFFFFF  }
0xbb: {  	_ =	strace $0x90000048  }
0xbc: {  	_ =	sfence  }
0xbd: {  	s30 =	sld [smem:$0x0];
	_ =	sdelay $0x2  }
0xbe: {  	s31 =	sshll.u32 s1, $0xD;
	s1 =	sshrl.u32 s1, $0x2  }
0xbf: {  	s3 =	sand.u32 $0x4000, s31;
	s1 =	sadd.s32 s1, s30  }
0xc0: {  	s0 =	sor.u32 s3, s0;
	s1 =	sshll.u32 s1, $0x11  }
0xc1: {  	s0 =	sor.u32 s1, s0  }
0xc2: {  	s0 =	sadd.s32 $0x8F2B, s0  }
0xc3: {  	[sflag:s0] =	ssyncadd.remote.s32 $0x1  }
0xc4: {  	_ =	sfence.sel $0xFFFF  }
0xc5: {  	[dreg:$0x0] =	wrdreg $0xFFFFFFFF;
	(pc) =	sbr.abs _section_cstart, $3  }
0xc6: {  	[dreg:$0x1] =	wrdreg $0xFFFFFFFF  }
0xc7: {  	_ =	task.clear_ibuf [dreg:s10], $0x2FFFF;
	_ =	strace $0x9FFFFFFF  }
0xc8: {  	(tm) =	ssettm $0x7FFFFFFF  }
0xc9: {  	_ =	shalt  }
tec
execute0_lowered:
.L_overlay_start_1:
0x0: {  	(tag) =	ssettag $0x1  }
0x1: {  	s0 =	rddreg [dreg:$0x0]  }
0x2: {  	s1 =	rddreg [dreg:$0x1]  }
0x3: {  	s2 =	srdreg.scid;
	s13 =	stileid.u32;
	s5 =	simm.s32 $0x0  }
0x4: {  	s15 =	simm.s32 $0x7;
	s20 =	simm.s32 $0xB600;
	s21 =	simm.s32 $0x40  }
0x5: {  	s22 =	simm.s32 $0xF600;
	s23 =	simm.s32 $0x13600;
	s28 =	simm.s32 $0x17600  }
0x6: {  	s29 =	simm.s32 $0x5;
	s30 =	simm.s32 $0x6;
	s31 =	simm.s32 $0x0  }
0x7: {  	s2 =	sand.u32 $0x1, s2;
	s3 =	sshll.u32 s13, $0x8;
	[smem:$0x7FF] =	sst s5  }
0x8: {  	s7 =	sadd.s32 $0x20A00, s1;
	s8 =	sadd.s32 $0x10A00, s1;
	s11 =	sshll.u32 s13, $0xB  }
0x9: {  	s26 =	sshll.u32 s13, $0xE;
	s4 =	sshll.u32 s2, $0x7;
	_ =	strace $0x80000047  }
0xa: {  	s9 =	ssub.s32 $0x2, s2;
	s10 =	sshll.u32 s2, $0xF;
	s2 =	sshll.u32 s2, $0xB  }
0xb: {  	s14 =	sor.u32 $0x2600, s26;
	s26 =	simm.s32 $0xF700;
	s6 =	sor.u32 s4, s3  }
0xc: {  	s25 =	sshrl.u32 s9, $0x1;
	s10 =	sadd.s32 s8, s10;
	s3 =	sshll.u32 s6, $0x4  }
0xd: {  	s10 =	sadd.s32 s11, s10;
	s24 =	sadd.s32 s3, s1;
	s1 =	ssub.s32 s9, s25  }
0xe: {  	v1 =	vlaneseq.u32;
	s9 =	sshll.u32 s13, $0x7;
	s11 =	sadd.s32 s0, s3;
	s25 =	simm.s32 $0x15600  }
0xf: {  	v1 =	vmul.u32 $0x20, v1;
	v0 =	vmov s2;
	s12 =	sadd.s32 $0xA00, s24;
	s13 =	smax.u32 s1, $0x1;
	s24 =	simm.s32 $0xF680  }
.LBB2_1:
0x10: {  	s0 =	rddreg [dreg:$0x2]  }
0x11: {  	[tilespmem:s5], [sflag:$0x7] =	stream.linear.gather [hbm4b:s0+s5], $0x2000, $0x38;
	[tilespmem:$0x1F600] =	vst v63  }
0x12: {  	_ =	swait.ge [sflag:s15], $0x2000  }
0x13: {  	[sflag:s15] =	ssyncset.done $0x0  }
0x14: {  	[sflag:s15] =	ssyncadd.s32 $0xFFFFE000  }
0x15: {  	s1 =	simm.s32 $0x2000;
	s16 =	rddreg [dreg:$0x3]  }
0x16: {  	[tilespmem:s1], [sflag:$0x7] =	stream.linear.gather [hbm4b:s16+s5], $0x380, $0x38;
	[tilespmem:$0x1F600] =	vst v63  }
0x17: {  	s17 =	smul.u32 $0xAB, s5;
	_ =	swait.ge [sflag:s15], $0x380  }
0x18: {  	s18 =	smulhi.u32 $0xAAAAAAAB, s5;
	[sflag:s15] =	ssyncset.done $0x0  }
0x19: {  	s3 =	simm.s32 $0x2400;
	[sflag:s15] =	ssyncadd.s32 $0xFFFFFC80  }
0x1a: {  	s0 =	sshrl.u32 s17, $0x9;
	s1 =	sshrl.u32 s18, $0x1;
	s2 =	rddreg [dreg:$0x4]  }
0x1b: {  	[tilespmem:s3], [sflag:$0x7] =	stream.linear.gather [hbm4b:s2+s5], $0x180, $0x38;
	[tilespmem:$0x1F600] =	vst v63  }
0x1c: {  	s0 =	sand.u32 $0x7F, s0;
	s1 =	smul.u32 $0xFFFFFA00, s1;
	_ =	swait.ge [sflag:s15], $0x180  }
0x1d: {  	s0 =	smin.u32 s0, $0x6;
	[sflag:s15] =	ssyncset.done $0x0  }
0x1e: {  	s19 =	sshll.u32 s0, $0x7;
	s1 =	sshra.s32 s1, $0x2;
	[sflag:s15] =	ssyncadd.s32 $0xFFFFFE80  }
0x1f: {  	s4 =	sadd.s32 $0x0, s1;
	v2 =	vld [tilespmem:s19+$0x2000]  }
0x20: {  	v3 =	vld [tilespmem:s4+$0x2400];
	_ =	sdelay $0x4  }
0x21: {  	v2 =	vadd.f32 v3, v2  }
0x22: {  	s0 =	simm.s32 $0x0  }
0x23: {  	[tilespmem:s0+$0x2600] =	vst v2  }
0x24: {  	v2 =	vld [tilespmem:s19+$0x2010]  }
0x25: {  	v3 =	vld [tilespmem:s4+$0x2410];
	_ =	sdelay $0x4  }
0x26: {  	v2 =	vadd.f32 v3, v2;
	_ =	sdelay $0x1  }
0x27: {  	[tilespmem:s0+$0x2610] =	vst v2  }
0x28: {  	v2 =	vld [tilespmem:s19+$0x2020]  }
0x29: {  	v3 =	vld [tilespmem:s4+$0x2420];
	_ =	sdelay $0x4  }
0x2a: {  	v2 =	vadd.f32 v3, v2;
	_ =	sdelay $0x1  }
0x2b: {  	[tilespmem:s0+$0x2620] =	vst v2  }
0x2c: {  	s2 =	simm.s32 $0x1;
	v2 =	vld [tilespmem:s19+$0x2030]  }
0x2d: {  	s17 =	smul.u32 $0xAB, s2;
	v3 =	vld [tilespmem:s4+$0x2430]  }
0x2e: {  	s1 =	simm.s32 $0x200  }
0x2f: {  	s3 =	simm.s32 $0x400;
	s16 =	smulhi.u32 $0xAAAAAAAB, s2;
	s4 =	sshrl.u32 s17, $0x9  }
.LBB2_2:
0x30: {  	p0 =	sne.s32 s3, $0x3E00  }
0x31: {  	s16 =	sshrl.u32 s16, $0x1;
	s17 =	smov.u32 s3;
	s3 =	sadd.s32 $0x200, s3  }
0x32: {  	s4 =	sand.u32 $0x7F, s4;
	s16 =	smul.u32 $0xFFFFFA00, s16;
	v2 =	vadd.f32 v3, v2  }
0x33: {  	s4 =	smin.u32 s4, $0x6  }
0x34: {  	s4 =	sshll.u32 s4, $0x7;
	s16 =	sshra.s32 s16, $0x2;
	[tilespmem:s0+$0x2630] =	vst v2;
	s0 =	sshra.s32 s1, $0x2  }
0x35: {  	s1 =	smov.u32 s17;
	s16 =	sadd.s32 s0, s16;
	v2 =	vld [tilespmem:s4+$0x2000]  }
0x36: {  	v3 =	vld [tilespmem:s16+$0x2400];
	_ =	sdelay $0x4  }
0x37: {  	v2 =	vadd.f32 v3, v2;
	_ =	sdelay $0x1  }
0x38: {  	[tilespmem:s0+$0x2600] =	vst v2  }
0x39: {  	v2 =	vld [tilespmem:s4+$0x2010]  }
0x3a: {  	v3 =	vld [tilespmem:s16+$0x2410];
	_ =	sdelay $0x4  }
0x3b: {  	v2 =	vadd.f32 v3, v2;
	_ =	sdelay $0x1  }
0x3c: {  	[tilespmem:s0+$0x2610] =	vst v2  }
0x3d: {  	v2 =	vld [tilespmem:s4+$0x2020]  }
0x3e: {  	v3 =	vld [tilespmem:s16+$0x2420];
	_ =	sdelay $0x4  }
0x3f: {  	v2 =	vadd.f32 v3, v2;
	_ =	sdelay $0x1  }
0x40: {  	[tilespmem:s0+$0x2620] =	vst v2  }
.Ltmp0:
0x41: {  	v2 =	vld [tilespmem:s4+$0x2030];
	(pc) =	sbr.rel @p0 .LBB2_2-.Ltmp0, $4  }
0x42: {  	s2 =	sadd.s32 $0x1, s2;
	v3 =	vld [tilespmem:s16+$0x2430]  }
0x43: {  	s4 =	smul.u32 $0xAB, s2  }
0x44: {  	s16 =	smulhi.u32 $0xAAAAAAAB, s2  }
0x45: {  	s4 =	sshrl.u32 s4, $0x9  }
0x46: {  	s2 =	sshrl.u32 s16, $0x1  }
0x47: {  	s3 =	sand.u32 $0x7F, s4;
	s2 =	smul.u32 $0xFFFFFA00, s2;
	v2 =	vadd.f32 v3, v2  }
0x48: {  	s3 =	smin.u32 s3, $0x6  }
0x49: {  	s1 =	sshra.s32 s1, $0x2;
	s3 =	sshll.u32 s3, $0x7;
	s2 =	sshra.s32 s2, $0x2;
	[tilespmem:s0+$0x2630] =	vst v2  }
0x4a: {  	s19 =	sadd.s32 s1, s2;
	v2 =	vld [tilespmem:s3+$0x2000]  }
0x4b: {  	v3 =	vld [tilespmem:s19+$0x2400];
	_ =	sdelay $0x4  }
0x4c: {  	v2 =	vadd.f32 v3, v2;
	_ =	sdelay $0x1  }
0x4d: {  	[tilespmem:s1+$0x2600] =	vst v2  }
0x4e: {  	v2 =	vld [tilespmem:s3+$0x2010]  }
0x4f: {  	v3 =	vld [tilespmem:s19+$0x2410];
	_ =	sdelay $0x4  }
0x50: {  	v2 =	vadd.f32 v3, v2;
	_ =	sdelay $0x1  }
0x51: {  	[tilespmem:s1+$0x2610] =	vst v2  }
0x52: {  	v2 =	vld [tilespmem:s3+$0x2020]  }
0x53: {  	v3 =	vld [tilespmem:s19+$0x2420];
	_ =	sdelay $0x4  }
0x54: {  	v2 =	vadd.f32 v3, v2;
	_ =	sdelay $0x1  }
0x55: {  	s4 =	simm.s32 $0x0;
	[tilespmem:s1+$0x2620] =	vst v2  }
0x56: {  	s16 =	sadd.s32 $0x0, s9;
	s2 =	sand.u32 $0x1F, s4;
	v2 =	vld [tilespmem:s3+$0x2030]  }
0x57: {  	p0 =	seq.s32 s16, $0x0;
	p1 =	sne.s32 s2, $0x0;
	v3 =	vld [tilespmem:s19+$0x2430]  }
0x58: {  	p0 =	por !p0, !p1  }
0x59: {  	s0 =	simm.s32 $0x1;
	p0 =	por !p0, !p0  }
0x5a: {  	s17 =	sshrl.u32 s9, $0x5;
	s0 =	simm.s32 @!p0 $0x0  }
0x5b: {  	s2 =	ssub.s32 s17, s0;
	s3 =	sshrl.u32 s16, $0x5  }
0x5c: {  	s2 =	sshll.u32 s2, $0xE;
	s0 =	ssub.s32 s3, s0;
	v2 =	vadd.f32 v3, v2  }
0x5d: {  	s2 =	ssub.s32 $0x0, s2;
	s0 =	sshll.u32 s0, $0x9  }
0x5e: {  	s18 =	sshra.s32 s2, $0x2;
	s0 =	sshra.s32 s0, $0x2;
	[tilespmem:s1+$0x2630] =	vst v2  }
0x5f: {  	s1 =	sadd.s32 s18, s14;
	v2 =	vld [tilespmem:s0+$0x0]  }
0x60: {  	v3 =	vld [tilespmem:s1+$0x0];
	_ =	sdelay $0x4  }
0x61: {  	v2 =	vadd.f32 v3, v2  }
0x62: {  	s2 =	simm.s32 $0x3640  }
0x63: {  	[tilespmem:s2+$0xFFFFFFC0] =	vst v2  }
0x64: {  	[tilespmem:s2+$0x0] =	vst v2  }
0x65: {  	v2 =	vld [tilespmem:s0+$0x10]  }
0x66: {  	v3 =	vld [tilespmem:s1+$0x10];
	_ =	sdelay $0x4  }
0x67: {  	v2 =	vadd.f32 v3, v2;
	_ =	sdelay $0x1  }
0x68: {  	[tilespmem:s2+$0xFFFFFFD0] =	vst v2  }
0x69: {  	[tilespmem:s2+$0x10] =	vst v2  }
0x6a: {  	v2 =	vld [tilespmem:s0+$0x20]  }
0x6b: {  	v3 =	vld [tilespmem:s1+$0x20];
	_ =	sdelay $0x4  }
0x6c: {  	v2 =	vadd.f32 v3, v2;
	_ =	sdelay $0x1  }
0x6d: {  	[tilespmem:s2+$0xFFFFFFE0] =	vst v2  }
0x6e: {  	s4 =	simm.s32 $0x2;
	[tilespmem:s2+$0x20] =	vst v2  }
0x6f: {  	s17 =	sadd.s32 $0x1, s9;
	s19 =	simm.s32 $0x1;
	s3 =	sadd.s32 $0x1, s9;
	v2 =	vld [tilespmem:s0+$0x30]  }
0x70: {  	s16 =	sand.u32 $0x1F, s19;
	s0 =	simm.s32 $0x36C0;
	v3 =	vld [tilespmem:s1+$0x30];
	s1 =	sadd.s32 $0x80, s14  }
.LBB2_4:
0x71: {  	p1 =	seq.s32 s17, $0x0  }
0x72: {  	p2 =	sne.s32 s16, $0x0;
	s16 =	smov.u32 s4;
	s18 =	sadd.s32 $0x1, s4  }
0x73: {  	p0 =	sne.s32 s4, $0x7F;
	p1 =	por !p1, !p2  }
0x74: {  	s19 =	simm.s32 $0x1;
	p1 =	por !p1, !p1  }
0x75: {  	s4 =	sshrl.u32 s3, $0x5;
	s17 =	sshrl.u32 s17, $0x5;
	s19 =	simm.s32 @!p1 $0x0  }
0x76: {  	s17 =	ssub.s32 s17, s19;
	s4 =	ssub.s32 s4, s19;
	v2 =	vadd.f32 v3, v2  }
0x77: {  	s17 =	sshll.u32 s17, $0x9;
	s4 =	sshll.u32 s4, $0xE  }
0x78: {  	s4 =	ssub.s32 $0x0, s4;
	[tilespmem:s2+$0xFFFFFFF0] =	vst v2  }
0x79: {  	s17 =	sshra.s32 s17, $0x2;
	s4 =	sshra.s32 s4, $0x2;
	[tilespmem:s2+$0x30] =	vst v2;
	s2 =	smov.u32 s0  }
0x7a: {  	v2 =	vld [tilespmem:s17+$0x0];
	s4 =	sadd.s32 s4, s1  }
0x7b: {  	v3 =	vld [tilespmem:s4+$0x0];
	_ =	sdelay $0x4  }
0x7c: {  	v2 =	vadd.f32 v3, v2;
	_ =	sdelay $0x1  }
0x7d: {  	[tilespmem:s0+$0xFFFFFFC0] =	vst v2  }
0x7e: {  	[tilespmem:s0+$0x0] =	vst v2  }
0x7f: {  	v2 =	vld [tilespmem:s17+$0x10]  }
0x80: {  	v3 =	vld [tilespmem:s4+$0x10];
	_ =	sdelay $0x4  }
0x81: {  	v2 =	vadd.f32 v3, v2;
	_ =	sdelay $0x1  }
0x82: {  	[tilespmem:s0+$0xFFFFFFD0] =	vst v2  }
0x83: {  	[tilespmem:s0+$0x10] =	vst v2  }
0x84: {  	v2 =	vld [tilespmem:s17+$0x20]  }
0x85: {  	v3 =	vld [tilespmem:s4+$0x20];
	_ =	sdelay $0x4  }
0x86: {  	v2 =	vadd.f32 v3, v2  }
.Ltmp1:
0x87: {  	(pc) =	sbr.rel @p0 .LBB2_4-.Ltmp1, $4  }
0x88: {  	[tilespmem:s0+$0xFFFFFFE0] =	vst v2  }
0x89: {  	[tilespmem:s0+$0x20] =	vst v2  }
0x8a: {  	s3 =	sadd.s32 $0x1, s3;
	s1 =	sadd.s32 $0x80, s1;
	s0 =	sadd.s32 $0x80, s0;
	v2 =	vld [tilespmem:s17+$0x30]  }
0x8b: {  	s17 =	sadd.s32 s16, s9;
	s16 =	sand.u32 $0x1F, s16;
	v3 =	vld [tilespmem:s4+$0x30];
	s4 =	smov.u32 s18  }
0x8c: {  	p0 =	seq.s32 s17, $0x0;
	p1 =	sne.s32 s16, $0x0  }
0x8d: {  	p0 =	por !p0, !p1  }
0x8e: {  	s4 =	simm.s32 $0x1;
	p0 =	por !p0, !p0  }
0x8f: {  	s3 =	sshrl.u32 s3, $0x5;
	s4 =	simm.s32 @!p0 $0x0  }
0x90: {  	s17 =	sshrl.u32 s17, $0x5;
	s3 =	ssub.s32 s3, s4;
	v2 =	vadd.f32 v3, v2  }
0x91: {  	s4 =	ssub.s32 s17, s4;
	s3 =	sshll.u32 s3, $0xE  }
0x92: {  	s4 =	sshll.u32 s4, $0x9;
	s3 =	ssub.s32 $0x0, s3;
	[tilespmem:s2+$0xFFFFFFF0] =	vst v2  }
0x93: {  	s4 =	sshra.s32 s4, $0x2;
	[tilespmem:s2+$0x30] =	vst v2;
	s3 =	sshra.s32 s3, $0x2  }
0x94: {  	v2 =	vld [tilespmem:s4+$0x0];
	s1 =	sadd.s32 s3, s1  }
0x95: {  	v3 =	vld [tilespmem:s1+$0x0];
	_ =	sdelay $0x4  }
0x96: {  	v2 =	vadd.f32 v3, v2;
	_ =	sdelay $0x1  }
0x97: {  	[tilespmem:s0+$0xFFFFFFC0] =	vst v2  }
0x98: {  	[tilespmem:s0+$0x0] =	vst v2  }
0x99: {  	v2 =	vld [tilespmem:s4+$0x10]  }
0x9a: {  	v3 =	vld [tilespmem:s1+$0x10];
	_ =	sdelay $0x4  }
0x9b: {  	v2 =	vadd.f32 v3, v2;
	_ =	sdelay $0x1  }
0x9c: {  	[tilespmem:s0+$0xFFFFFFD0] =	vst v2  }
0x9d: {  	[tilespmem:s0+$0x10] =	vst v2  }
0x9e: {  	v2 =	vld [tilespmem:s4+$0x20]  }
0x9f: {  	v3 =	vld [tilespmem:s1+$0x20];
	_ =	sdelay $0x4  }
0xa0: {  	v2 =	vadd.f32 v3, v2;
	_ =	sdelay $0x1  }
0xa1: {  	[tilespmem:s0+$0xFFFFFFE0] =	vst v2  }
0xa2: {  	[tilespmem:s0+$0x20] =	vst v2  }
0xa3: {  	v2 =	vld [tilespmem:s4+$0x30]  }
0xa4: {  	v3 =	vld [tilespmem:s1+$0x30];
	_ =	sdelay $0x4  }
0xa5: {  	v2 =	vadd.f32 v3, v2;
	_ =	sdelay $0x1  }
0xa6: {  	[tilespmem:s0+$0xFFFFFFF0] =	vst v2  }
0xa7: {  	s18 =	simm.s32 $0x0;
	s19 =	simm.s32 $0x3600;
	[tilespmem:s0+$0x30] =	vst v2  }
0xa8: {  	[hbm4b:s10+s18] =	stream.linear.scatter [tilespmem:s19], [sflag:$0x7], $0x4000, $0x38;
	[tilespmem:$0x1F600] =	vst v63  }
0xa9: {  	_ =	swait.ge [sflag:s15], $0x4000  }
0xaa: {  	[sflag:s15] =	ssyncset.done $0x0  }
0xab: {  	s2 =	simm.s32 $0x7600;
	[sflag:s15] =	ssyncadd.s32 $0xFFFFC000  }
0xac: {  	[tilespmem:s2], [sflag:$0x7] =	stream.linear.gather [hbm4b:s11+s18], $0x4000, $0x38;
	[tilespmem:$0x1F600] =	vst v63  }
0xad: {  	_ =	swait.ge [sflag:s15], $0x4000  }
0xae: {  	[sflag:s15] =	ssyncset.done $0x0  }
0xaf: {  	s3 =	simm.s32 $0x0;
	[sflag:s15] =	ssyncadd.s32 $0xFFFFC000  }
0xb0: {  	[tilespmem:s20], [sflag:$0x7] =	stream.linear.gather [hbm4b:s12+s18], $0x4000, $0x38;
	[tilespmem:$0x1F600] =	vst v63  }
0xb1: {  	s4 =	sand.u32 $0xFFFFFF80, s3;
	_ =	swait.ge [sflag:s15], $0x4000  }
0xb2: {  	s16 =	sand.u32 $0x70, s3;
	s0 =	sadd.s32 $0x0, s4;
	[sflag:s15] =	ssyncset.done $0x0  }
0xb3: {  	s0 =	sor.u32 s16, s0;
	[sflag:s15] =	ssyncadd.s32 $0xFFFFC000  }
0xb4: {  	v3 =	vld [tilespmem:s0+$0x7600];
	_ =	sdelay $0x1  }
0xb5: {  	v2 =	vmov s3;
	s2 =	simm.s32 $0x10  }
0xb6: {  	v4 =	vshll.u32 v2, $0x5;
	s17 =	sand.u32 $0xFFFFFF80, s2;
	v2 =	vld [tilespmem:s0+$0xB600]  }
0xb7: {  	s19 =	sadd.s32 $0x0, s17;
	s18 =	sand.u32 $0x70, s2  }
0xb8: {  	s3 =	simm.s32 $0x2;
	s4 =	simm.s32 $0x10;
	v4 =	vor.u32 v1, v4;
	s1 =	sor.u32 s18, s19;
	v3 =	vmul.u32 $0x3, v3  }
.LBB2_6:
0xb9: {  	s16 =	sshrl.u32 s3, $0x2;
	p0 =	sne.s32 s3, $0x1FF;
	s3 =	sadd.s32 $0x1, s3;
	v5 =	vld [tilespmem:s1+$0x7600];
	v4 =	vadd.s32 v0, v4  }
.Ltmp2:
0xba: {  	s4 =	sadd.s32 $0x10, s4;
	s17 =	sshll.u32 s16, $0x6;
	v3 =	vadd.s32 v3, v4;
	(pc) =	sbr.rel @p0 .LBB2_6-.Ltmp2, $4  }
0xbb: {  	s17 =	ssub.s32 s4, s17;
	v3 =	vadd.s32 v2, v3  }
0xbc: {  	s16 =	sshll.u32 s16, $0x7;
	v4 =	vmov s2;
	s18 =	sand.u32 $0xFFFFFF80, s17;
	v2 =	vld [tilespmem:s1+$0xB600];
	[tilespmem:s0+$0xF600] =	vst v3;
	s2 =	smov.u32 s17  }
0xbd: {  	v3 =	vshll.u32 v4, $0x5;
	s0 =	smov.u32 s1;
	s17 =	sand.u32 $0x70, s2;
	s16 =	sadd.s32 s16, s18  }
0xbe: {  	v4 =	vor.u32 v1, v3;
	s1 =	sor.u32 s17, s16;
	v3 =	vmul.u32 $0x3, v5  }
0xbf: {  	v5 =	vld [tilespmem:s1+$0x7600];
	_ =	sdelay $0x2  }
0xc0: {  	v6 =	vld [tilespmem:s1+$0xB600];
	v7 =	vmov s2  }
0xc1: {  	v7 =	vshll.u32 v7, $0x5  }
0xc2: {  	v4 =	vadd.s32 v0, v4;
	v7 =	vor.u32 v1, v7;
	v5 =	vmul.u32 $0x3, v5  }
0xc3: {  	v3 =	vadd.s32 v3, v4;
	v63 =	vadd.s32 v0, v7  }
0xc4: {  	v2 =	vadd.s32 v2, v3;
	v3 =	vadd.s32 v5, v63  }
0xc5: {  	[tilespmem:s0+$0xF600] =	vst v2;
	v2 =	vadd.s32 v6, v3  }
0xc6: {  	[tilespmem:s1+$0xF600] =	vst v2  }
0xc7: {  	[bflag:$0x0] =	sbarrier.arrive $0xFFFF  }
0xc8: {  	[tilespmem:s23], [sflag:$0x1] =	stream.indirect.gather [hbm4b:s8+s21], $0x80, s22, s21, $0xb8;
	[tilespmem:$0x1F600] =	vst v63  }
0xc9: {  	_ = 	snop  }
0xca: {  	[tilespmem:s25], [sflag:$0x2] =	stream.indirect.gather [hbm4b:s8+s21], $0x80, s24, s21, $0xb8;
	[tilespmem:$0x1F600] =	vst v63  }
0xcb: {  	p0 =	por $0x0, $0x0;
	s0 =	simm.s32 $0x0;
	s1 =	simm.s32 $0x0  }
0xcc: {  	[tilespmem:s28], [sflag:$0x3] =	stream.indirect.gather [hbm4b:s8+s21], $0x80, s26, s21, $0xb8;
	[tilespmem:$0x1F600] =	vst v63  }
.LBB2_8:
0xcd: {  	s2 =	sand.u32 $0x3, s1;
	p1 =	sgt.u32 s1, $0x7C  }
0xce: {  	s2 =	sadd.s32 $0x1, s2;
	s3 =	sadd.s32 @!p1 $0x3, s1  }
0xcf: {  	s19 =	sand.u32 $0x3, s0;
	_ =	swait.ge [sflag:s2], $0x2000;
	s4 =	sand.u32 @!p1 $0x3, s3  }
0xd0: {  	s3 =	sshll.u32 @!p1 s3, $0x7;
	[sflag:s2] =	ssyncset.done $0x0;
	s16 =	sshll.u32 @!p1 s4, $0xD  }
0xd1: {  	s3 =	sand.u32 @!p1 $0x3FFFFF80, s3;
	s4 =	sadd.s32 @!p1 $0x1, s4;
	[sflag:s2] =	ssyncadd.s32 $0xFFFFE000  }
0xd2: {  	s2 =	sadd.s32 @!p1 $0x13600, s16;
	s3 =	sadd.s32 @!p1 $0xF600, s3;
	s16 =	simm.s32 @!p1 $0x40  }
0xd3: {  	[tilespmem:s2], [sflag:s4] =	stream.indirect.gather @!p1 [hbm4b:s8+s16], $0x80, s3, s16, $0xb8;
	[tilespmem:$0x1F600] =	vst v63  }
0xd4: {  	s16 =	sshll.u32 s19, $0xD  }
0xd5: {  	s16 =	sadd.s32 $0x13600, s16  }
0xd6: {  	s18 =	sand.u32 $0x1, s1;
	p2 =	slt.u32 @!p1 s1, $0x2;
	s4 =	simm.s32 $0x1;
	v3 =	vmov s16  }
0xd7: {  	p1 =	por p1, !p2;
	s2 =	sadd.s32 $0x5, s18;
	s4 =	simm.s32 @!p0 $0x0  }
0xd8: {  	s3 =	sshll.u32 s18, $0xD;
	_ =	swait.ge @p1 [sflag:s2], $0x2000;
	s4 =	sshll.u32 s4, $0xD  }
0xd9: {  	s3 =	sadd.s32 $0x1B600, s3;
	[sflag:s2] =	ssyncset.done @p1 $0x0;
	s4 =	sadd.s32 $0x1B620, s4  }
0xda: {  	s16 =	simm.s32 $0x200;
	[sflag:s2] =	ssyncadd.s32 @p1 $0xFFFFE000;
	v2 =	vmov s4;
	s4 =	simm.s32 $0x0  }
.LBB2_9:
0xdb: {  	p1 =	sne.s32 s16, $0x7E00;
	v4 =	vld.idx.msk [tilespmem:v3+s4+$0x0 ss:$0x1], $0xffff;
	_ =	sdelay $0x5  }
0xdc: {  	[tilespmem:v2+s4+$0xFFFFFFE0 ss:$0x1] =	vst.idx.msk $0xffff, v4  }
0xdd: {  	v4 =	vld.idx.msk [tilespmem:v3+s4+$0x10 ss:$0x1], $0xffff;
	_ =	sdelay $0x5  }
0xde: {  	[tilespmem:v2+s4+$0xFFFFFFF0 ss:$0x1] =	vst.idx.msk $0xffff, v4  }
0xdf: {  	v4 =	vld.idx.msk [tilespmem:v3+s4+$0x20 ss:$0x1], $0xffff;
	_ =	sdelay $0x5  }
0xe0: {  	[tilespmem:v2+s4+$0x0 ss:$0x1] =	vst.idx.msk $0xffff, v4  }
0xe1: {  	v4 =	vld.idx.msk [tilespmem:v3+s4+$0x30 ss:$0x1], $0xffff;
	_ =	sdelay $0x1  }
.Ltmp3:
0xe2: {  	(pc) =	sbr.rel @p1 .LBB2_9-.Ltmp3, $2  }
0xe3: {  	_ =	sdelay $0x2  }
0xe4: {  	[tilespmem:v2+s4+$0x10 ss:$0x1] =	vst.idx.msk $0xffff, v4;
	s4 =	sshra.s32 s16, $0x2;
	s16 =	sadd.s32 $0x200, s16  }
0xe5: {  	_ =	sdelay $0x3  }
0xe6: {  	v4 =	vld.idx.msk [tilespmem:v3+s4+$0x0 ss:$0x1], $0xffff;
	_ =	sdelay $0x4  }
0xe7: {  	[tilespmem:v2+s4+$0xFFFFFFE0 ss:$0x1] =	vst.idx.msk $0xffff, v4  }
0xe8: {  	v4 =	vld.idx.msk [tilespmem:v3+s4+$0x10 ss:$0x1], $0xffff;
	_ =	sdelay $0x4  }
0xe9: {  	[tilespmem:v2+s4+$0xFFFFFFF0 ss:$0x1] =	vst.idx.msk $0xffff, v4  }
0xea: {  	v4 =	vld.idx.msk [tilespmem:v3+s4+$0x20 ss:$0x1], $0xffff;
	_ =	sdelay $0x4  }
0xeb: {  	[tilespmem:v2+s4+$0x0 ss:$0x1] =	vst.idx.msk $0xffff, v4  }
0xec: {  	s16 =	sadd.s32 s6, s1;
	s1 =	sadd.s32 $0x1, s1;
	v3 =	vld.idx.msk [tilespmem:v3+s4+$0x30 ss:$0x1], $0xffff  }
0xed: {  	p1 =	sne.s32 s1, $0x80  }
.Ltmp4:
0xee: {  	_ = 	snop;
	(pc) =	sbr.rel @p1 .LBB2_8-.Ltmp4, $4  }
0xef: {  	_ = 	snop  }
0xf0: {  	s16 =	sshll.u32 s16, $0xA  }
0xf1: {  	s0 =	sadd.s32 $0x1, s0;
	p0 =	por !p0, !p0;
	s19 =	sadd.s32 s7, s16;
	[tilespmem:v2+s4+$0x10 ss:$0x1] =	vst.idx.msk $0xffff, v3  }
0xf2: {  	[hbm4b:s19+s5] =	stream.linear.scatter [tilespmem:s3], [sflag:s2], $0x2000, $0x38;
	[tilespmem:$0x1F600] =	vst v63  }
0xf3: {  	s31 =	sadd.s32 $0x1, s31  }
0xf4: {  	_ =	swait.ge [sflag:s29], $0x2000;
	p0 =	sne.s32 s31, s13  }
.Ltmp5:
0xf5: {  	[sflag:s29] =	ssyncset.done $0x0;
	(pc) =	sbr.rel @p0 .LBB2_1-.Ltmp5, $4  }
0xf6: {  	[sflag:s29] =	ssyncadd.s32 $0xFFFFE000  }
0xf7: {  	_ =	swait.ge [sflag:s30], $0x2000  }
0xf8: {  	[sflag:s30] =	ssyncset.done $0x0  }
0xf9: {  	[sflag:s30] =	ssyncadd.s32 $0xFFFFE000  }
0xfa: {  	_ =	sfence.sel $0x180000  }
0xfb: {  	[bflag:$0x0] =	sbarrier.arrive $0xFFFF  }
0xfc: {  	_ =	strace $0x90000047  }
0xfd: {  	s0 =	stileid.u32;
	[bflag:$0x2] =	sbarrier.arrive $0xFFFF  }
0xfe: {  	p0 =	sne.s32 s0, $0x0;
	s0 =	rddreg [dreg:$0x5]  }
0xff: {  	s0 =	sadd.s32 @!p0 $0x100000, s0  }
0x100: {  	[sflag:s0] =	ssyncadd.tile.s32 @!p0 $0x1;
	_ =	shalt  }
.Lfunc_end2:
_tile_overlayer_lowered:
.L_overlay_start_2:
0x101: {  	(tag) =	ssettag $0x2  }
0x102: {  	s0 =	rddreg [dreg:$0x0];
	s2 =	stileid.u32  }
0x103: {  	s1 =	rddreg [dreg:$0x1];
	p0 =	sne.s32 s2, $0x0  }
0x104: {  	s3 =	rddreg [dreg:$0x2];
	[bflag:$0x3] =	sbarrier.arrive $0xFFFF;
	s2 =	simm.s32 @!p0 $0x1C07  }
0x105: {  	[timem:s3], [sflag:s2] =	dma.local @!p0 [hbm:s0], s1  }
0x106: {  	s0 =	simm.s32 @!p0 $0x7  }
0x107: {  	_ =	swait.ge @!p0 [sflag:s0], s1  }
0x108: {  	s1 =	ssub.s32 @!p0 $0x0, s1;
	[sflag:s0] =	ssyncset.done @!p0 $0x0  }
0x109: {  	[sflag:s0] =	ssyncadd.s32 @!p0 s1  }
0x10a: {  	[bflag:$0x3] =	sbarrier.arrive $0xFFFF  }
0x10b: {  	_ =	shalt  }

</sc_bundles>
